<compile_context>
chip_gen: v7x
topology: tpu7x:2x2x1
jax: 0.10.2.dev20260603
libtpu: 0.0.44.dev20260713+nightly
codegen_flags: <defaults>
</compile_context>

<pallas_src>
import functools

import jax
import jax.numpy as jnp
from jax import lax
from jax.experimental import pallas as pl
from jax.experimental.pallas import tpu as pltpu
from jax.experimental.pallas import tpu_sc as plsc

B, T, HIDDEN = 8, 576, 1024
NUM_LAYERS = 4
LAYER_DIM = HIDDEN // NUM_LAYERS
CB_SIZE = 1024
N = B * T
TILE = 768

NC, NS = 2, 16
NW = NC * NS
WPL = NW // NUM_LAYERS
TOK_W = N // WPL
CHUNK = 144
NCHUNK = TOK_W // CHUNK


def _tc_body(x_ref, cbt_ref, idx_ref, probs_ref):
    probs_acc = jnp.zeros((TILE, CB_SIZE), jnp.float32)
    iota_f = jax.lax.broadcasted_iota(
        jnp.int32, (TILE, CB_SIZE), 1).astype(jnp.float32)
    idx_cols = []
    for l in range(NUM_LAYERS):
        xb = x_ref[:, l * LAYER_DIM:(l + 1) * LAYER_DIM]
        sim = jnp.dot(xb, cbt_ref[l], preferred_element_type=jnp.float32)
        m = jnp.max(sim, axis=1, keepdims=True)
        e = jnp.exp(sim - m)
        s = jnp.sum(e, axis=1, keepdims=True)
        probs_acc = probs_acc + e * (0.25 / s)
        idxf = jnp.min(jnp.where(sim == m, iota_f, float(CB_SIZE)),
                       axis=1, keepdims=True)
        idx_cols.append(idxf.astype(jnp.int32))
    idx_ref[...] = jnp.concatenate(idx_cols, axis=1)
    probs_ref[...] = probs_acc


def _run_tc(x2d, cbt):
    out_shapes = (
        jax.ShapeDtypeStruct((N, NUM_LAYERS), jnp.int32),
        jax.ShapeDtypeStruct((N, CB_SIZE), jnp.float32),
    )
    return pl.pallas_call(
        _tc_body,
        grid=(N // TILE,),
        in_specs=[pl.BlockSpec((TILE, HIDDEN), lambda i: (i, 0)),
                  pl.BlockSpec((NUM_LAYERS, LAYER_DIM, CB_SIZE), lambda i: (0, 0, 0))],
        out_specs=(pl.BlockSpec((TILE, NUM_LAYERS), lambda i: (i, 0)),
                   pl.BlockSpec((TILE, CB_SIZE), lambda i: (i, 0))),
        out_shape=out_shapes,
    )(x2d, cbt)


def _sc_kernel(table_hbm, gidxt_hbm, quant_hbm,
               qb0_hbm, qb1_hbm, qb2_hbm, qb3_hbm, idx_v, rows_v, sem):
    qb_refs = (qb0_hbm, qb1_hbm, qb2_hbm, qb3_hbm)
    wid = lax.axis_index("s") * NC + lax.axis_index("c")
    lyr = wid // WPL
    j = wid % WPL
    for ll in range(NUM_LAYERS):
        @pl.when(lyr == ll)
        def _(ll=ll):
            t0 = j * TOK_W
            pltpu.sync_copy(gidxt_hbm.at[pl.ds(ll * N + t0, TOK_W)], idx_v)
            for c in range(NCHUNK):
                tok = t0 + c * CHUNK
                idxc = idx_v.at[pl.ds(c * CHUNK, CHUNK)]
                pltpu.async_copy(table_hbm.at[idxc], rows_v, sem).wait()
                pltpu.sync_copy(rows_v, qb_refs[ll].at[pl.ds(tok, CHUNK)])
                pltpu.sync_copy(
                    rows_v,
                    quant_hbm.at[pl.ds(tok, CHUNK),
                                 pl.ds(ll * LAYER_DIM, LAYER_DIM)])


def _run_sc(table, gidxt):
    mesh = plsc.VectorSubcoreMesh(core_axis_name="c", subcore_axis_name="s")
    out_type = (
        jax.ShapeDtypeStruct((N, HIDDEN), jnp.float32),
        jax.ShapeDtypeStruct((N, LAYER_DIM), jnp.float32),
        jax.ShapeDtypeStruct((N, LAYER_DIM), jnp.float32),
        jax.ShapeDtypeStruct((N, LAYER_DIM), jnp.float32),
        jax.ShapeDtypeStruct((N, LAYER_DIM), jnp.float32),
    )
    fn = functools.partial(
        pl.kernel, mesh=mesh,
        out_type=out_type,
        scratch_types=[
            pltpu.VMEM((TOK_W,), jnp.int32),
            pltpu.VMEM((CHUNK, LAYER_DIM), jnp.float32),
            pltpu.SemaphoreType.DMA,
        ],
    )(_sc_kernel)
    return fn(table, gidxt)


@jax.jit
def _run(x2d, cbt, table):
    idx_all, probs = _run_tc(x2d, cbt)
    gidxt = (idx_all + jnp.arange(NUM_LAYERS, dtype=jnp.int32) * CB_SIZE).T.reshape(-1)
    quant, qb0, qb1, qb2, qb3 = _run_sc(table, gidxt)
    return idx_all, probs, quant, qb0, qb1, qb2, qb3


def kernel(x, cb_topic_0, cb_topic_1, cb_style_2, cb_style_3, temperature):
    codebooks = (cb_topic_0, cb_topic_1, cb_style_2, cb_style_3)
    temp = jnp.maximum(temperature, 0.04)
    inv_t = (1.0 / temp).astype(jnp.float32)
    x2d = x.reshape(N, HIDDEN)
    cbt = jnp.stack([c.T for c in codebooks]) * inv_t
    table = jnp.concatenate(codebooks, axis=0)
    idx_all, probs, quant, qb0, qb1, qb2, qb3 = _run(x2d, cbt, table)
    quantized = quant.reshape(B, T, HIDDEN)
    indices = tuple(idx_all[:, l].reshape(B, T) for l in range(NUM_LAYERS))
    qblocks = tuple(q.reshape(B, T, LAYER_DIM) for q in (qb0, qb1, qb2, qb3))
    avg_code_probs = probs.reshape(B, T, CB_SIZE)
    return (quantized, indices, qblocks, avg_code_probs, x)

# --- scband reference (transcript-rebuilt; emitter-appended) ---
"""Pipeline reference for scband-adaptive-hierarchical-quantizer-27358941675812 (READ-ONLY COPY).

The authoritative reference and input builder live on the scoring server;
editing this copy changes nothing except your own understanding.
"""

import jax, jax.numpy as jnp
import numpy as np

B, T, HIDDEN = 8, 576, 1024
NUM_LAYERS = 4
LAYER_DIM = HIDDEN // NUM_LAYERS
CB_SIZE = 1024


def setup_inputs(seed: int = 0) -> dict:
    key = jax.random.key(seed)
    ks = jax.random.split(key, 6)
    return {
        "x": jax.random.normal(ks[0], (B, T, HIDDEN), dtype=jnp.float32),
        "cb_topic_0": jax.random.normal(ks[1], (CB_SIZE, LAYER_DIM), dtype=jnp.float32),
        "cb_topic_1": jax.random.normal(ks[2], (CB_SIZE, LAYER_DIM), dtype=jnp.float32),
        "cb_style_2": jax.random.normal(ks[3], (CB_SIZE, LAYER_DIM), dtype=jnp.float32),
        "cb_style_3": jax.random.normal(ks[4], (CB_SIZE, LAYER_DIM), dtype=jnp.float32),
        "temperature": jnp.float32(1.0),
    }


def reference(x, cb_topic_0, cb_topic_1, cb_style_2, cb_style_3, temperature):
    # Eval-mode forward of AdaptiveHierarchicalQuantizer (single-modal path):
    # no gumbel noise, no EMA updates, no dead-code resets.
    codebooks = [cb_topic_0, cb_topic_1, cb_style_2, cb_style_3]
    temp = jnp.maximum(temperature, 0.04)
    raw_feat = x
    blocks = jnp.split(x, NUM_LAYERS, axis=-1)
    quantized_blocks = []
    indices_list = []
    code_probs_list = []
    for block, cb in zip(blocks, codebooks):
        similarity = jnp.matmul(block, cb.T) / temp
        idx = jnp.argmax(similarity, axis=-1)
        code_probs = jax.nn.softmax(similarity, axis=-1)
        soft_indices = jax.nn.softmax(similarity, axis=-1)
        quant_block_soft = jnp.matmul(soft_indices, cb)
        quant_block_hard = jnp.take(cb, idx, axis=0)
        quant_block = quant_block_hard + (quant_block_soft - jax.lax.stop_gradient(quant_block_soft))
        quantized_blocks.append(quant_block)
        indices_list.append(idx)
        code_probs_list.append(code_probs)
    quantized = jnp.concatenate(quantized_blocks, axis=-1)
    code_probs_stack = jnp.stack(code_probs_list, axis=-2)
    avg_code_probs = code_probs_stack.mean(axis=-2)
    return (quantized, tuple(indices_list), tuple(quantized_blocks), avg_code_probs, raw_feat)

if __name__ == "__main__":
    import jax
    _d = setup_inputs()
    print(jax.jit(kernel)(*tuple(_d.values())))

</pallas_src>

<mosaic_0001>
#map = affine_map<(d0, d1) -> (0, 0)>
#map1 = affine_map<(d0, d1) -> (0)>
module attributes {stable_mosaic.version = 14 : i64} {
  func.func @_sc_kernel(%arg0: i32, %arg1: i32, %arg2: memref<4096x256xf32, #tpu.memory_space<hbm>>, %arg3: memref<18432xi32, #tpu.memory_space<hbm>>, %arg4: memref<4608x1024xf32, #tpu.memory_space<hbm>>, %arg5: memref<4608x256xf32, #tpu.memory_space<hbm>>, %arg6: memref<4608x256xf32, #tpu.memory_space<hbm>>, %arg7: memref<4608x256xf32, #tpu.memory_space<hbm>>, %arg8: memref<4608x256xf32, #tpu.memory_space<hbm>>, %arg9: memref<576xi32, #tpu.memory_space<vmem>>, %arg10: memref<144x256xf32, #tpu.memory_space<vmem>>, %arg11: memref<!tpu.dma_semaphore, #tpu.memory_space<semaphore_mem>>) attributes {dimension_semantics = [#tpu.dimension_semantics<core_parallel>, #tpu.dimension_semantics<subcore_parallel>], iteration_bounds = array<i64: 2, 16>, scalar_prefetch = 0 : i64, scratch_operands = 3 : i64, tpu.core_type = #tpu.core_type<sc_vector_subcore>, window_params = [{transform_indices = #map}, {transform_indices = #map1}, {transform_indices = #map}, {transform_indices = #map}, {transform_indices = #map}, {transform_indices = #map}, {transform_indices = #map}]} {
    %mul3A = arith.constant 2 : i32
    %mul3A_0 = arith.muli %arg1, %mul3A : i32
    %add3A = arith.addi %mul3A_0, %arg0 : i32
    %jit3A = arith.constant 8 : i32
    %div3A = arith.divsi %add3A, %jit3A : i32
    %sign3A = arith.constant 0 : i32
    %sign3A_1 = arith.cmpi sgt, %add3A, %sign3A : i32
    %sign3A_2 = arith.extui %sign3A_1 : i1 to i32
    %sign3A_3 = arith.constant 0 : i32
    %sign3A_4 = arith.cmpi slt, %add3A, %sign3A_3 : i32
    %sign3A_5 = arith.extui %sign3A_4 : i1 to i32
    %sign3A_6 = arith.subi %sign3A_2, %sign3A_5 : i32
    %sign3A_7 = arith.constant 0 : i32
    %sign3A_8 = arith.cmpi sgt, %jit3A, %sign3A_7 : i32
    %sign3A_9 = arith.extui %sign3A_8 : i1 to i32
    %sign3A_10 = arith.constant 0 : i32
    %sign3A_11 = arith.cmpi slt, %jit3A, %sign3A_10 : i32
    %sign3A_12 = arith.extui %sign3A_11 : i1 to i32
    %sign3A_13 = arith.subi %sign3A_9, %sign3A_12 : i32
    %ne3A = arith.cmpi ne, %sign3A_6, %sign3A_13 : i32
    %rem3A = arith.remsi %add3A, %jit3A : i32
    %ne3A_14 = arith.constant 0 : i32
    %ne3A_15 = arith.cmpi ne, %rem3A, %ne3A_14 : i32
    %and3A = arith.andi %ne3A, %ne3A_15 : i1
    %sub3A = arith.constant 1 : i32
    %sub3A_16 = arith.subi %div3A, %sub3A : i32
    %select_n3A = arith.select %and3A, %sub3A_16, %div3A : i32
    %jit3A_17 = arith.constant 8 : i32
    %eq3A = arith.constant 0 : i32
    %eq3A_18 = arith.cmpi eq, %jit3A_17, %eq3A : i32
    %jit3A_19 = arith.constant 1 : i32
    %select_n3A_20 = arith.select %eq3A_18, %jit3A_19, %jit3A_17 : i32
    %rem3A_21 = arith.remsi %add3A, %select_n3A_20 : i32
    %ne3A_22 = arith.constant 0 : i32
    %ne3A_23 = arith.cmpi ne, %rem3A_21, %ne3A_22 : i32
    %lt3A = arith.constant 0 : i32
    %lt3A_24 = arith.cmpi slt, %rem3A_21, %lt3A : i32
    %lt3A_25 = arith.constant 0 : i32
    %lt3A_26 = arith.cmpi slt, %select_n3A_20, %lt3A_25 : i32
    %ne3A_27 = arith.xori %lt3A_24, %lt3A_26 : i1
    %and3A_28 = arith.andi %ne3A_27, %ne3A_23 : i1
    %add3A_29 = arith.addi %rem3A_21, %select_n3A_20 : i32
    %select_n3A_30 = arith.select %and3A_28, %add3A_29, %rem3A_21 : i32
    %eq3A_31 = arith.constant 0 : i32
    %eq3A_32 = arith.cmpi eq, %select_n3A, %eq3A_31 : i32
    %convert_element_type3A = arith.extui %eq3A_32 : i1 to i32
    %cond3A = arith.constant 0 : i32
    %cond3A_33 = arith.cmpi ne, %convert_element_type3A, %cond3A : i32
    scf.if %cond3A_33 {
      %mul3A_49 = arith.constant 576 : i32
      %mul3A_50 = arith.muli %select_n3A_30, %mul3A_49 : i32
      %add3A_51 = arith.constant 0 : i32
      %add3A_52 = arith.addi %add3A_51, %mul3A_50 : i32
      "tpu.region"() ({
        %run_scoped3A = tpu.sem_alloc : memref<!tpu.dma_semaphore, #tpu.memory_space<semaphore_mem>>
        %dma_start3A_99 = tpu.memref_slice %arg3[%add3A_52] : memref<18432xi32, #tpu.memory_space<hbm>> -> memref<576xi32, #tpu.memory_space<hbm>>
        %dma_start3A_100 = tpu.memref_slice %arg3[%add3A_52] : memref<18432xi32, #tpu.memory_space<hbm>> -> memref<576xi32, #tpu.memory_space<hbm>>
        tpu.enqueue_dma source(%dma_start3A_100 : memref<576xi32, #tpu.memory_space<hbm>>) target(%arg9 : memref<576xi32, #tpu.memory_space<vmem>>) target_semaphore(%run_scoped3A : memref<!tpu.dma_semaphore, #tpu.memory_space<semaphore_mem>>)
        %dma_wait3A_101 = tpu.memref_slice %arg3[%add3A_52] : memref<18432xi32, #tpu.memory_space<hbm>> -> memref<576xi32, #tpu.memory_space<hbm>>
        %dma_wait3A_102 = tpu.memref_slice %arg3[%add3A_52] : memref<18432xi32, #tpu.memory_space<hbm>> -> memref<576xi32, #tpu.memory_space<hbm>>
        tpu.wait_dma2 semaphore(%run_scoped3A : memref<!tpu.dma_semaphore, #tpu.memory_space<semaphore_mem>>) src(%dma_wait3A_102 : memref<576xi32, #tpu.memory_space<hbm>>) dst(%arg9 : memref<576xi32, #tpu.memory_space<vmem>>)
        tpu.yield
      }) : () -> ()
      %add3A_53 = arith.constant 0 : i32
      %add3A_54 = arith.addi %mul3A_50, %add3A_53 : i32
      %dma_start3A = arith.constant 0 : i32
      %dma_start3A_55 = tpu.memref_slice %arg9[%dma_start3A] : memref<576xi32, #tpu.memory_space<vmem>> -> memref<144xi32, #tpu.memory_space<vmem>>
      %dma_start3A_56 = arith.constant 0 : i32
      %dma_start3A_57 = arith.constant 0 : i32
      %dma_start3A_58 = tpu.memref_slice %arg2[%dma_start3A_56, %dma_start3A_57] : memref<4096x256xf32, #tpu.memory_space<hbm>> -> memref<4096x256xf32, #tpu.memory_space<hbm>>
      tpu.enqueue_indirect_dma source(%dma_start3A_58 : memref<4096x256xf32, #tpu.memory_space<hbm>>) target(%arg10 : memref<144x256xf32, #tpu.memory_space<vmem>>) offsets(%dma_start3A_55 : memref<144xi32, #tpu.memory_space<vmem>>) semaphore(%arg11 : memref<!tpu.dma_semaphore, #tpu.memory_space<semaphore_mem>>)
      %dma_wait3A = arith.constant 0 : i32
      %dma_wait3A_59 = tpu.memref_slice %arg9[%dma_wait3A] : memref<576xi32, #tpu.memory_space<vmem>> -> memref<144xi32, #tpu.memory_space<vmem>>
      %dma_wait3A_60 = arith.constant 0 : i32
      %dma_wait3A_61 = arith.constant 0 : i32
      %dma_wait3A_62 = tpu.memref_slice %arg2[%dma_wait3A_60, %dma_wait3A_61] : memref<4096x256xf32, #tpu.memory_space<hbm>> -> memref<4096x256xf32, #tpu.memory_space<hbm>>
      tpu.wait_indirect_dma semaphore(%arg11 : memref<!tpu.dma_semaphore, #tpu.memory_space<semaphore_mem>>) src(%dma_wait3A_62 : memref<4096x256xf32, #tpu.memory_space<hbm>>) dst(%arg10 : memref<144x256xf32, #tpu.memory_space<vmem>>)
      "tpu.region"() ({
        %run_scoped3A = tpu.sem_alloc : memref<!tpu.dma_semaphore, #tpu.memory_space<semaphore_mem>>
        %dma_start3A_99 = arith.constant 0 : i32
        %dma_start3A_100 = tpu.memref_slice %arg5[%add3A_54, %dma_start3A_99] : memref<4608x256xf32, #tpu.memory_space<hbm>> -> memref<144x256xf32, #tpu.memory_space<hbm>>
        %dma_start3A_101 = arith.constant 0 : i32
        %dma_start3A_102 = tpu.memref_slice %arg5[%add3A_54, %dma_start3A_101] : memref<4608x256xf32, #tpu.memory_space<hbm>> -> memref<144x256xf32, #tpu.memory_space<hbm>>
        tpu.enqueue_dma source(%arg10 : memref<144x256xf32, #tpu.memory_space<vmem>>) target(%dma_start3A_102 : memref<144x256xf32, #tpu.memory_space<hbm>>) target_semaphore(%run_scoped3A : memref<!tpu.dma_semaphore, #tpu.memory_space<semaphore_mem>>)
        %dma_wait3A_103 = arith.constant 0 : i32
        %dma_wait3A_104 = tpu.memref_slice %arg5[%add3A_54, %dma_wait3A_103] : memref<4608x256xf32, #tpu.memory_space<hbm>> -> memref<144x256xf32, #tpu.memory_space<hbm>>
        %dma_wait3A_105 = arith.constant 0 : i32
        %dma_wait3A_106 = tpu.memref_slice %arg5[%add3A_54, %dma_wait3A_105] : memref<4608x256xf32, #tpu.memory_space<hbm>> -> memref<144x256xf32, #tpu.memory_space<hbm>>
        tpu.wait_dma2 semaphore(%run_scoped3A : memref<!tpu.dma_semaphore, #tpu.memory_space<semaphore_mem>>) src(%arg10 : memref<144x256xf32, #tpu.memory_space<vmem>>) dst(%dma_wait3A_106 : memref<144x256xf32, #tpu.memory_space<hbm>>)
        tpu.yield
      }) : () -> ()
      "tpu.region"() ({
        %run_scoped3A = tpu.sem_alloc : memref<!tpu.dma_semaphore, #tpu.memory_space<semaphore_mem>>
        %dma_start3A_99 = arith.constant 0 : i32
        %dma_start3A_100 = tpu.memref_slice %arg4[%add3A_54, %dma_start3A_99] : memref<4608x1024xf32, #tpu.memory_space<hbm>> -> memref<144x256xf32, #tpu.memory_space<hbm>>
        %dma_start3A_101 = arith.constant 0 : i32
        %dma_start3A_102 = tpu.memref_slice %arg4[%add3A_54, %dma_start3A_101] : memref<4608x1024xf32, #tpu.memory_space<hbm>> -> memref<144x256xf32, #tpu.memory_space<hbm>>
        tpu.enqueue_dma source(%arg10 : memref<144x256xf32, #tpu.memory_space<vmem>>) target(%dma_start3A_102 : memref<144x256xf32, #tpu.memory_space<hbm>>) target_semaphore(%run_scoped3A : memref<!tpu.dma_semaphore, #tpu.memory_space<semaphore_mem>>)
        %dma_wait3A_103 = arith.constant 0 : i32
        %dma_wait3A_104 = tpu.memref_slice %arg4[%add3A_54, %dma_wait3A_103] : memref<4608x1024xf32, #tpu.memory_space<hbm>> -> memref<144x256xf32, #tpu.memory_space<hbm>>
        %dma_wait3A_105 = arith.constant 0 : i32
        %dma_wait3A_106 = tpu.memref_slice %arg4[%add3A_54, %dma_wait3A_105] : memref<4608x1024xf32, #tpu.memory_space<hbm>> -> memref<144x256xf32, #tpu.memory_space<hbm>>
        tpu.wait_dma2 semaphore(%run_scoped3A : memref<!tpu.dma_semaphore, #tpu.memory_space<semaphore_mem>>) src(%arg10 : memref<144x256xf32, #tpu.memory_space<vmem>>) dst(%dma_wait3A_106 : memref<144x256xf32, #tpu.memory_space<hbm>>)
        tpu.yield
      }) : () -> ()
      %add3A_63 = arith.constant 144 : i32
      %add3A_64 = arith.addi %mul3A_50, %add3A_63 : i32
      %dma_start3A_65 = arith.constant 144 : i32
      %dma_start3A_66 = tpu.memref_slice %arg9[%dma_start3A_65] : memref<576xi32, #tpu.memory_space<vmem>> -> memref<144xi32, #tpu.memory_space<vmem>>
      %dma_start3A_67 = arith.constant 0 : i32
      %dma_start3A_68 = arith.constant 0 : i32
      %dma_start3A_69 = tpu.memref_slice %arg2[%dma_start3A_67, %dma_start3A_68] : memref<4096x256xf32, #tpu.memory_space<hbm>> -> memref<4096x256xf32, #tpu.memory_space<hbm>>
      tpu.enqueue_indirect_dma source(%dma_start3A_69 : memref<4096x256xf32, #tpu.memory_space<hbm>>) target(%arg10 : memref<144x256xf32, #tpu.memory_space<vmem>>) offsets(%dma_start3A_66 : memref<144xi32, #tpu.memory_space<vmem>>) semaphore(%arg11 : memref<!tpu.dma_semaphore, #tpu.memory_space<semaphore_mem>>)
      %dma_wait3A_70 = arith.constant 144 : i32
      %dma_wait3A_71 = tpu.memref_slice %arg9[%dma_wait3A_70] : memref<576xi32, #tpu.memory_space<vmem>> -> memref<144xi32, #tpu.memory_space<vmem>>
      %dma_wait3A_72 = arith.constant 0 : i32
      %dma_wait3A_73 = arith.constant 0 : i32
      %dma_wait3A_74 = tpu.memref_slice %arg2[%dma_wait3A_72, %dma_wait3A_73] : memref<4096x256xf32, #tpu.memory_space<hbm>> -> memref<4096x256xf32, #tpu.memory_space<hbm>>
      tpu.wait_indirect_dma semaphore(%arg11 : memref<!tpu.dma_semaphore, #tpu.memory_space<semaphore_mem>>) src(%dma_wait3A_74 : memref<4096x256xf32, #tpu.memory_space<hbm>>) dst(%arg10 : memref<144x256xf32, #tpu.memory_space<vmem>>)
      "tpu.region"() ({
        %run_scoped3A = tpu.sem_alloc : memref<!tpu.dma_semaphore, #tpu.memory_space<semaphore_mem>>
        %dma_start3A_99 = arith.constant 0 : i32
        %dma_start3A_100 = tpu.memref_slice %arg5[%add3A_64, %dma_start3A_99] : memref<4608x256xf32, #tpu.memory_space<hbm>> -> memref<144x256xf32, #tpu.memory_space<hbm>>
        %dma_start3A_101 = arith.constant 0 : i32
        %dma_start3A_102 = tpu.memref_slice %arg5[%add3A_64, %dma_start3A_101] : memref<4608x256xf32, #tpu.memory_space<hbm>> -> memref<144x256xf32, #tpu.memory_space<hbm>>
        tpu.enqueue_dma source(%arg10 : memref<144x256xf32, #tpu.memory_space<vmem>>) target(%dma_start3A_102 : memref<144x256xf32, #tpu.memory_space<hbm>>) target_semaphore(%run_scoped3A : memref<!tpu.dma_semaphore, #tpu.memory_space<semaphore_mem>>)
        %dma_wait3A_103 = arith.constant 0 : i32
        %dma_wait3A_104 = tpu.memref_slice %arg5[%add3A_64, %dma_wait3A_103] : memref<4608x256xf32, #tpu.memory_space<hbm>> -> memref<144x256xf32, #tpu.memory_space<hbm>>
        %dma_wait3A_105 = arith.constant 0 : i32
        %dma_wait3A_106 = tpu.memref_slice %arg5[%add3A_64, %dma_wait3A_105] : memref<4608x256xf32, #tpu.memory_space<hbm>> -> memref<144x256xf32, #tpu.memory_space<hbm>>
        tpu.wait_dma2 semaphore(%run_scoped3A : memref<!tpu.dma_semaphore, #tpu.memory_space<semaphore_mem>>) src(%arg10 : memref<144x256xf32, #tpu.memory_space<vmem>>) dst(%dma_wait3A_106 : memref<144x256xf32, #tpu.memory_space<hbm>>)
        tpu.yield
      }) : () -> ()
      "tpu.region"() ({
        %run_scoped3A = tpu.sem_alloc : memref<!tpu.dma_semaphore, #tpu.memory_space<semaphore_mem>>
        %dma_start3A_99 = arith.constant 0 : i32
        %dma_start3A_100 = tpu.memref_slice %arg4[%add3A_64, %dma_start3A_99] : memref<4608x1024xf32, #tpu.memory_space<hbm>> -> memref<144x256xf32, #tpu.memory_space<hbm>>
        %dma_start3A_101 = arith.constant 0 : i32
        %dma_start3A_102 = tpu.memref_slice %arg4[%add3A_64, %dma_start3A_101] : memref<4608x1024xf32, #tpu.memory_space<hbm>> -> memref<144x256xf32, #tpu.memory_space<hbm>>
        tpu.enqueue_dma source(%arg10 : memref<144x256xf32, #tpu.memory_space<vmem>>) target(%dma_start3A_102 : memref<144x256xf32, #tpu.memory_space<hbm>>) target_semaphore(%run_scoped3A : memref<!tpu.dma_semaphore, #tpu.memory_space<semaphore_mem>>)
        %dma_wait3A_103 = arith.constant 0 : i32
        %dma_wait3A_104 = tpu.memref_slice %arg4[%add3A_64, %dma_wait3A_103] : memref<4608x1024xf32, #tpu.memory_space<hbm>> -> memref<144x256xf32, #tpu.memory_space<hbm>>
        %dma_wait3A_105 = arith.constant 0 : i32
        %dma_wait3A_106 = tpu.memref_slice %arg4[%add3A_64, %dma_wait3A_105] : memref<4608x1024xf32, #tpu.memory_space<hbm>> -> memref<144x256xf32, #tpu.memory_space<hbm>>
        tpu.wait_dma2 semaphore(%run_scoped3A : memref<!tpu.dma_semaphore, #tpu.memory_space<semaphore_mem>>) src(%arg10 : memref<144x256xf32, #tpu.memory_space<vmem>>) dst(%dma_wait3A_106 : memref<144x256xf32, #tpu.memory_space<hbm>>)
        tpu.yield
      }) : () -> ()
      %add3A_75 = arith.constant 288 : i32
      %add3A_76 = arith.addi %mul3A_50, %add3A_75 : i32
      %dma_start3A_77 = arith.constant 288 : i32
      %dma_start3A_78 = tpu.memref_slice %arg9[%dma_start3A_77] : memref<576xi32, #tpu.memory_space<vmem>> -> memref<144xi32, #tpu.memory_space<vmem>>
      %dma_start3A_79 = arith.constant 0 : i32
      %dma_start3A_80 = arith.constant 0 : i32
      %dma_start3A_81 = tpu.memref_slice %arg2[%dma_start3A_79, %dma_start3A_80] : memref<4096x256xf32, #tpu.memory_space<hbm>> -> memref<4096x256xf32, #tpu.memory_space<hbm>>
      tpu.enqueue_indirect_dma source(%dma_start3A_81 : memref<4096x256xf32, #tpu.memory_space<hbm>>) target(%arg10 : memref<144x256xf32, #tpu.memory_space<vmem>>) offsets(%dma_start3A_78 : memref<144xi32, #tpu.memory_space<vmem>>) semaphore(%arg11 : memref<!tpu.dma_semaphore, #tpu.memory_space<semaphore_mem>>)
      %dma_wait3A_82 = arith.constant 288 : i32
      %dma_wait3A_83 = tpu.memref_slice %arg9[%dma_wait3A_82] : memref<576xi32, #tpu.memory_space<vmem>> -> memref<144xi32, #tpu.memory_space<vmem>>
      %dma_wait3A_84 = arith.constant 0 : i32
      %dma_wait3A_85 = arith.constant 0 : i32
      %dma_wait3A_86 = tpu.memref_slice %arg2[%dma_wait3A_84, %dma_wait3A_85] : memref<4096x256xf32, #tpu.memory_space<hbm>> -> memref<4096x256xf32, #tpu.memory_space<hbm>>
      tpu.wait_indirect_dma semaphore(%arg11 : memref<!tpu.dma_semaphore, #tpu.memory_space<semaphore_mem>>) src(%dma_wait3A_86 : memref<4096x256xf32, #tpu.memory_space<hbm>>) dst(%arg10 : memref<144x256xf32, #tpu.memory_space<vmem>>)
      "tpu.region"() ({
        %run_scoped3A = tpu.sem_alloc : memref<!tpu.dma_semaphore, #tpu.memory_space<semaphore_mem>>
        %dma_start3A_99 = arith.constant 0 : i32
        %dma_start3A_100 = tpu.memref_slice %arg5[%add3A_76, %dma_start3A_99] : memref<4608x256xf32, #tpu.memory_space<hbm>> -> memref<144x256xf32, #tpu.memory_space<hbm>>
        %dma_start3A_101 = arith.constant 0 : i32
        %dma_start3A_102 = tpu.memref_slice %arg5[%add3A_76, %dma_start3A_101] : memref<4608x256xf32, #tpu.memory_space<hbm>> -> memref<144x256xf32, #tpu.memory_space<hbm>>
        tpu.enqueue_dma source(%arg10 : memref<144x256xf32, #tpu.memory_space<vmem>>) target(%dma_start3A_102 : memref<144x256xf32, #tpu.memory_space<hbm>>) target_semaphore(%run_scoped3A : memref<!tpu.dma_semaphore, #tpu.memory_space<semaphore_mem>>)
        %dma_wait3A_103 = arith.constant 0 : i32
        %dma_wait3A_104 = tpu.memref_slice %arg5[%add3A_76, %dma_wait3A_103] : memref<4608x256xf32, #tpu.memory_space<hbm>> -> memref<144x256xf32, #tpu.memory_space<hbm>>
        %dma_wait3A_105 = arith.constant 0 : i32
        %dma_wait3A_106 = tpu.memref_slice %arg5[%add3A_76, %dma_wait3A_105] : memref<4608x256xf32, #tpu.memory_space<hbm>> -> memref<144x256xf32, #tpu.memory_space<hbm>>
        tpu.wait_dma2 semaphore(%run_scoped3A : memref<!tpu.dma_semaphore, #tpu.memory_space<semaphore_mem>>) src(%arg10 : memref<144x256xf32, #tpu.memory_space<vmem>>) dst(%dma_wait3A_106 : memref<144x256xf32, #tpu.memory_space<hbm>>)
        tpu.yield
      }) : () -> ()
      "tpu.region"() ({
        %run_scoped3A = tpu.sem_alloc : memref<!tpu.dma_semaphore, #tpu.memory_space<semaphore_mem>>
        %dma_start3A_99 = arith.constant 0 : i32
        %dma_start3A_100 = tpu.memref_slice %arg4[%add3A_76, %dma_start3A_99] : memref<4608x1024xf32, #tpu.memory_space<hbm>> -> memref<144x256xf32, #tpu.memory_space<hbm>>
        %dma_start3A_101 = arith.constant 0 : i32
        %dma_start3A_102 = tpu.memref_slice %arg4[%add3A_76, %dma_start3A_101] : memref<4608x1024xf32, #tpu.memory_space<hbm>> -> memref<144x256xf32, #tpu.memory_space<hbm>>
        tpu.enqueue_dma source(%arg10 : memref<144x256xf32, #tpu.memory_space<vmem>>) target(%dma_start3A_102 : memref<144x256xf32, #tpu.memory_space<hbm>>) target_semaphore(%run_scoped3A : memref<!tpu.dma_semaphore, #tpu.memory_space<semaphore_mem>>)
        %dma_wait3A_103 = arith.constant 0 : i32
        %dma_wait3A_104 = tpu.memref_slice %arg4[%add3A_76, %dma_wait3A_103] : memref<4608x1024xf32, #tpu.memory_space<hbm>> -> memref<144x256xf32, #tpu.memory_space<hbm>>
        %dma_wait3A_105 = arith.constant 0 : i32
        %dma_wait3A_106 = tpu.memref_slice %arg4[%add3A_76, %dma_wait3A_105] : memref<4608x1024xf32, #tpu.memory_space<hbm>> -> memref<144x256xf32, #tpu.memory_space<hbm>>
        tpu.wait_dma2 semaphore(%run_scoped3A : memref<!tpu.dma_semaphore, #tpu.memory_space<semaphore_mem>>) src(%arg10 : memref<144x256xf32, #tpu.memory_space<vmem>>) dst(%dma_wait3A_106 : memref<144x256xf32, #tpu.memory_space<hbm>>)
        tpu.yield
      }) : () -> ()
      %add3A_87 = arith.constant 432 : i32
      %add3A_88 = arith.addi %mul3A_50, %add3A_87 : i32
      %dma_start3A_89 = arith.constant 432 : i32
      %dma_start3A_90 = tpu.memref_slice %arg9[%dma_start3A_89] : memref<576xi32, #tpu.memory_space<vmem>> -> memref<144xi32, #tpu.memory_space<vmem>>
      %dma_start3A_91 = arith.constant 0 : i32
      %dma_start3A_92 = arith.constant 0 : i32
      %dma_start3A_93 = tpu.memref_slice %arg2[%dma_start3A_91, %dma_start3A_92] : memref<4096x256xf32, #tpu.memory_space<hbm>> -> memref<4096x256xf32, #tpu.memory_space<hbm>>
      tpu.enqueue_indirect_dma source(%dma_start3A_93 : memref<4096x256xf32, #tpu.memory_space<hbm>>) target(%arg10 : memref<144x256xf32, #tpu.memory_space<vmem>>) offsets(%dma_start3A_90 : memref<144xi32, #tpu.memory_space<vmem>>) semaphore(%arg11 : memref<!tpu.dma_semaphore, #tpu.memory_space<semaphore_mem>>)
      %dma_wait3A_94 = arith.constant 432 : i32
      %dma_wait3A_95 = tpu.memref_slice %arg9[%dma_wait3A_94] : memref<576xi32, #tpu.memory_space<vmem>> -> memref<144xi32, #tpu.memory_space<vmem>>
      %dma_wait3A_96 = arith.constant 0 : i32
      %dma_wait3A_97 = arith.constant 0 : i32
      %dma_wait3A_98 = tpu.memref_slice %arg2[%dma_wait3A_96, %dma_wait3A_97] : memref<4096x256xf32, #tpu.memory_space<hbm>> -> memref<4096x256xf32, #tpu.memory_space<hbm>>
      tpu.wait_indirect_dma semaphore(%arg11 : memref<!tpu.dma_semaphore, #tpu.memory_space<semaphore_mem>>) src(%dma_wait3A_98 : memref<4096x256xf32, #tpu.memory_space<hbm>>) dst(%arg10 : memref<144x256xf32, #tpu.memory_space<vmem>>)
      "tpu.region"() ({
        %run_scoped3A = tpu.sem_alloc : memref<!tpu.dma_semaphore, #tpu.memory_space<semaphore_mem>>
        %dma_start3A_99 = arith.constant 0 : i32
        %dma_start3A_100 = tpu.memref_slice %arg5[%add3A_88, %dma_start3A_99] : memref<4608x256xf32, #tpu.memory_space<hbm>> -> memref<144x256xf32, #tpu.memory_space<hbm>>
        %dma_start3A_101 = arith.constant 0 : i32
        %dma_start3A_102 = tpu.memref_slice %arg5[%add3A_88, %dma_start3A_101] : memref<4608x256xf32, #tpu.memory_space<hbm>> -> memref<144x256xf32, #tpu.memory_space<hbm>>
        tpu.enqueue_dma source(%arg10 : memref<144x256xf32, #tpu.memory_space<vmem>>) target(%dma_start3A_102 : memref<144x256xf32, #tpu.memory_space<hbm>>) target_semaphore(%run_scoped3A : memref<!tpu.dma_semaphore, #tpu.memory_space<semaphore_mem>>)
        %dma_wait3A_103 = arith.constant 0 : i32
        %dma_wait3A_104 = tpu.memref_slice %arg5[%add3A_88, %dma_wait3A_103] : memref<4608x256xf32, #tpu.memory_space<hbm>> -> memref<144x256xf32, #tpu.memory_space<hbm>>
        %dma_wait3A_105 = arith.constant 0 : i32
        %dma_wait3A_106 = tpu.memref_slice %arg5[%add3A_88, %dma_wait3A_105] : memref<4608x256xf32, #tpu.memory_space<hbm>> -> memref<144x256xf32, #tpu.memory_space<hbm>>
        tpu.wait_dma2 semaphore(%run_scoped3A : memref<!tpu.dma_semaphore, #tpu.memory_space<semaphore_mem>>) src(%arg10 : memref<144x256xf32, #tpu.memory_space<vmem>>) dst(%dma_wait3A_106 : memref<144x256xf32, #tpu.memory_space<hbm>>)
        tpu.yield
      }) : () -> ()
      "tpu.region"() ({
        %run_scoped3A = tpu.sem_alloc : memref<!tpu.dma_semaphore, #tpu.memory_space<semaphore_mem>>
        %dma_start3A_99 = arith.constant 0 : i32
        %dma_start3A_100 = tpu.memref_slice %arg4[%add3A_88, %dma_start3A_99] : memref<4608x1024xf32, #tpu.memory_space<hbm>> -> memref<144x256xf32, #tpu.memory_space<hbm>>
        %dma_start3A_101 = arith.constant 0 : i32
        %dma_start3A_102 = tpu.memref_slice %arg4[%add3A_88, %dma_start3A_101] : memref<4608x1024xf32, #tpu.memory_space<hbm>> -> memref<144x256xf32, #tpu.memory_space<hbm>>
        tpu.enqueue_dma source(%arg10 : memref<144x256xf32, #tpu.memory_space<vmem>>) target(%dma_start3A_102 : memref<144x256xf32, #tpu.memory_space<hbm>>) target_semaphore(%run_scoped3A : memref<!tpu.dma_semaphore, #tpu.memory_space<semaphore_mem>>)
        %dma_wait3A_103 = arith.constant 0 : i32
        %dma_wait3A_104 = tpu.memref_slice %arg4[%add3A_88, %dma_wait3A_103] : memref<4608x1024xf32, #tpu.memory_space<hbm>> -> memref<144x256xf32, #tpu.memory_space<hbm>>
        %dma_wait3A_105 = arith.constant 0 : i32
        %dma_wait3A_106 = tpu.memref_slice %arg4[%add3A_88, %dma_wait3A_105] : memref<4608x1024xf32, #tpu.memory_space<hbm>> -> memref<144x256xf32, #tpu.memory_space<hbm>>
        tpu.wait_dma2 semaphore(%run_scoped3A : memref<!tpu.dma_semaphore, #tpu.memory_space<semaphore_mem>>) src(%arg10 : memref<144x256xf32, #tpu.memory_space<vmem>>) dst(%dma_wait3A_106 : memref<144x256xf32, #tpu.memory_space<hbm>>)
        tpu.yield
      }) : () -> ()
    } else {
    }
    %eq3A_34 = arith.constant 1 : i32
    %eq3A_35 = arith.cmpi eq, %select_n3A, %eq3A_34 : i32
    %convert_element_type3A_36 = arith.extui %eq3A_35 : i1 to i32
    %cond3A_37 = arith.constant 0 : i32
    %cond3A_38 = arith.cmpi ne, %convert_element_type3A_36, %cond3A_37 : i32
    scf.if %cond3A_38 {
      %mul3A_49 = arith.constant 576 : i32
      %mul3A_50 = arith.muli %select_n3A_30, %mul3A_49 : i32
      %add3A_51 = arith.constant 4608 : i32
      %add3A_52 = arith.addi %add3A_51, %mul3A_50 : i32
      "tpu.region"() ({
        %run_scoped3A = tpu.sem_alloc : memref<!tpu.dma_semaphore, #tpu.memory_space<semaphore_mem>>
        %dma_start3A_99 = tpu.memref_slice %arg3[%add3A_52] : memref<18432xi32, #tpu.memory_space<hbm>> -> memref<576xi32, #tpu.memory_space<hbm>>
        %dma_start3A_100 = tpu.memref_slice %arg3[%add3A_52] : memref<18432xi32, #tpu.memory_space<hbm>> -> memref<576xi32, #tpu.memory_space<hbm>>
        tpu.enqueue_dma source(%dma_start3A_100 : memref<576xi32, #tpu.memory_space<hbm>>) target(%arg9 : memref<576xi32, #tpu.memory_space<vmem>>) target_semaphore(%run_scoped3A : memref<!tpu.dma_semaphore, #tpu.memory_space<semaphore_mem>>)
        %dma_wait3A_101 = tpu.memref_slice %arg3[%add3A_52] : memref<18432xi32, #tpu.memory_space<hbm>> -> memref<576xi32, #tpu.memory_space<hbm>>
        %dma_wait3A_102 = tpu.memref_slice %arg3[%add3A_52] : memref<18432xi32, #tpu.memory_space<hbm>> -> memref<576xi32, #tpu.memory_space<hbm>>
        tpu.wait_dma2 semaphore(%run_scoped3A : memref<!tpu.dma_semaphore, #tpu.memory_space<semaphore_mem>>) src(%dma_wait3A_102 : memref<576xi32, #tpu.memory_space<hbm>>) dst(%arg9 : memref<576xi32, #tpu.memory_space<vmem>>)
        tpu.yield
      }) : () -> ()
      %add3A_53 = arith.constant 0 : i32
      %add3A_54 = arith.addi %mul3A_50, %add3A_53 : i32
      %dma_start3A = arith.constant 0 : i32
      %dma_start3A_55 = tpu.memref_slice %arg9[%dma_start3A] : memref<576xi32, #tpu.memory_space<vmem>> -> memref<144xi32, #tpu.memory_space<vmem>>
      %dma_start3A_56 = arith.constant 0 : i32
      %dma_start3A_57 = arith.constant 0 : i32
      %dma_start3A_58 = tpu.memref_slice %arg2[%dma_start3A_56, %dma_start3A_57] : memref<4096x256xf32, #tpu.memory_space<hbm>> -> memref<4096x256xf32, #tpu.memory_space<hbm>>
      tpu.enqueue_indirect_dma source(%dma_start3A_58 : memref<4096x256xf32, #tpu.memory_space<hbm>>) target(%arg10 : memref<144x256xf32, #tpu.memory_space<vmem>>) offsets(%dma_start3A_55 : memref<144xi32, #tpu.memory_space<vmem>>) semaphore(%arg11 : memref<!tpu.dma_semaphore, #tpu.memory_space<semaphore_mem>>)
      %dma_wait3A = arith.constant 0 : i32
      %dma_wait3A_59 = tpu.memref_slice %arg9[%dma_wait3A] : memref<576xi32, #tpu.memory_space<vmem>> -> memref<144xi32, #tpu.memory_space<vmem>>
      %dma_wait3A_60 = arith.constant 0 : i32
      %dma_wait3A_61 = arith.constant 0 : i32
      %dma_wait3A_62 = tpu.memref_slice %arg2[%dma_wait3A_60, %dma_wait3A_61] : memref<4096x256xf32, #tpu.memory_space<hbm>> -> memref<4096x256xf32, #tpu.memory_space<hbm>>
      tpu.wait_indirect_dma semaphore(%arg11 : memref<!tpu.dma_semaphore, #tpu.memory_space<semaphore_mem>>) src(%dma_wait3A_62 : memref<4096x256xf32, #tpu.memory_space<hbm>>) dst(%arg10 : memref<144x256xf32, #tpu.memory_space<vmem>>)
      "tpu.region"() ({
        %run_scoped3A = tpu.sem_alloc : memref<!tpu.dma_semaphore, #tpu.memory_space<semaphore_mem>>
        %dma_start3A_99 = arith.constant 0 : i32
        %dma_start3A_100 = tpu.memref_slice %arg6[%add3A_54, %dma_start3A_99] : memref<4608x256xf32, #tpu.memory_space<hbm>> -> memref<144x256xf32, #tpu.memory_space<hbm>>
        %dma_start3A_101 = arith.constant 0 : i32
        %dma_start3A_102 = tpu.memref_slice %arg6[%add3A_54, %dma_start3A_101] : memref<4608x256xf32, #tpu.memory_space<hbm>> -> memref<144x256xf32, #tpu.memory_space<hbm>>
        tpu.enqueue_dma source(%arg10 : memref<144x256xf32, #tpu.memory_space<vmem>>) target(%dma_start3A_102 : memref<144x256xf32, #tpu.memory_space<hbm>>) target_semaphore(%run_scoped3A : memref<!tpu.dma_semaphore, #tpu.memory_space<semaphore_mem>>)
        %dma_wait3A_103 = arith.constant 0 : i32
        %dma_wait3A_104 = tpu.memref_slice %arg6[%add3A_54, %dma_wait3A_103] : memref<4608x256xf32, #tpu.memory_space<hbm>> -> memref<144x256xf32, #tpu.memory_space<hbm>>
        %dma_wait3A_105 = arith.constant 0 : i32
        %dma_wait3A_106 = tpu.memref_slice %arg6[%add3A_54, %dma_wait3A_105] : memref<4608x256xf32, #tpu.memory_space<hbm>> -> memref<144x256xf32, #tpu.memory_space<hbm>>
        tpu.wait_dma2 semaphore(%run_scoped3A : memref<!tpu.dma_semaphore, #tpu.memory_space<semaphore_mem>>) src(%arg10 : memref<144x256xf32, #tpu.memory_space<vmem>>) dst(%dma_wait3A_106 : memref<144x256xf32, #tpu.memory_space<hbm>>)
        tpu.yield
      }) : () -> ()
      "tpu.region"() ({
        %run_scoped3A = tpu.sem_alloc : memref<!tpu.dma_semaphore, #tpu.memory_space<semaphore_mem>>
        %dma_start3A_99 = arith.constant 256 : i32
        %dma_start3A_100 = tpu.memref_slice %arg4[%add3A_54, %dma_start3A_99] : memref<4608x1024xf32, #tpu.memory_space<hbm>> -> memref<144x256xf32, #tpu.memory_space<hbm>>
        %dma_start3A_101 = arith.constant 256 : i32
        %dma_start3A_102 = tpu.memref_slice %arg4[%add3A_54, %dma_start3A_101] : memref<4608x1024xf32, #tpu.memory_space<hbm>> -> memref<144x256xf32, #tpu.memory_space<hbm>>
        tpu.enqueue_dma source(%arg10 : memref<144x256xf32, #tpu.memory_space<vmem>>) target(%dma_start3A_102 : memref<144x256xf32, #tpu.memory_space<hbm>>) target_semaphore(%run_scoped3A : memref<!tpu.dma_semaphore, #tpu.memory_space<semaphore_mem>>)
        %dma_wait3A_103 = arith.constant 256 : i32
        %dma_wait3A_104 = tpu.memref_slice %arg4[%add3A_54, %dma_wait3A_103] : memref<4608x1024xf32, #tpu.memory_space<hbm>> -> memref<144x256xf32, #tpu.memory_space<hbm>>
        %dma_wait3A_105 = arith.constant 256 : i32
        %dma_wait3A_106 = tpu.memref_slice %arg4[%add3A_54, %dma_wait3A_105] : memref<4608x1024xf32, #tpu.memory_space<hbm>> -> memref<144x256xf32, #tpu.memory_space<hbm>>
        tpu.wait_dma2 semaphore(%run_scoped3A : memref<!tpu.dma_semaphore, #tpu.memory_space<semaphore_mem>>) src(%arg10 : memref<144x256xf32, #tpu.memory_space<vmem>>) dst(%dma_wait3A_106 : memref<144x256xf32, #tpu.memory_space<hbm>>)
        tpu.yield
      }) : () -> ()
      %add3A_63 = arith.constant 144 : i32
      %add3A_64 = arith.addi %mul3A_50, %add3A_63 : i32
      %dma_start3A_65 = arith.constant 144 : i32
      %dma_start3A_66 = tpu.memref_slice %arg9[%dma_start3A_65] : memref<576xi32, #tpu.memory_space<vmem>> -> memref<144xi32, #tpu.memory_space<vmem>>
      %dma_start3A_67 = arith.constant 0 : i32
      %dma_start3A_68 = arith.constant 0 : i32
      %dma_start3A_69 = tpu.memref_slice %arg2[%dma_start3A_67, %dma_start3A_68] : memref<4096x256xf32, #tpu.memory_space<hbm>> -> memref<4096x256xf32, #tpu.memory_space<hbm>>
      tpu.enqueue_indirect_dma source(%dma_start3A_69 : memref<4096x256xf32, #tpu.memory_space<hbm>>) target(%arg10 : memref<144x256xf32, #tpu.memory_space<vmem>>) offsets(%dma_start3A_66 : memref<144xi32, #tpu.memory_space<vmem>>) semaphore(%arg11 : memref<!tpu.dma_semaphore, #tpu.memory_space<semaphore_mem>>)
      %dma_wait3A_70 = arith.constant 144 : i32
      %dma_wait3A_71 = tpu.memref_slice %arg9[%dma_wait3A_70] : memref<576xi32, #tpu.memory_space<vmem>> -> memref<144xi32, #tpu.memory_space<vmem>>
      %dma_wait3A_72 = arith.constant 0 : i32
      %dma_wait3A_73 = arith.constant 0 : i32
      %dma_wait3A_74 = tpu.memref_slice %arg2[%dma_wait3A_72, %dma_wait3A_73] : memref<4096x256xf32, #tpu.memory_space<hbm>> -> memref<4096x256xf32, #tpu.memory_space<hbm>>
      tpu.wait_indirect_dma semaphore(%arg11 : memref<!tpu.dma_semaphore, #tpu.memory_space<semaphore_mem>>) src(%dma_wait3A_74 : memref<4096x256xf32, #tpu.memory_space<hbm>>) dst(%arg10 : memref<144x256xf32, #tpu.memory_space<vmem>>)
      "tpu.region"() ({
        %run_scoped3A = tpu.sem_alloc : memref<!tpu.dma_semaphore, #tpu.memory_space<semaphore_mem>>
        %dma_start3A_99 = arith.constant 0 : i32
        %dma_start3A_100 = tpu.memref_slice %arg6[%add3A_64, %dma_start3A_99] : memref<4608x256xf32, #tpu.memory_space<hbm>> -> memref<144x256xf32, #tpu.memory_space<hbm>>
        %dma_start3A_101 = arith.constant 0 : i32
        %dma_start3A_102 = tpu.memref_slice %arg6[%add3A_64, %dma_start3A_101] : memref<4608x256xf32, #tpu.memory_space<hbm>> -> memref<144x256xf32, #tpu.memory_space<hbm>>
        tpu.enqueue_dma source(%arg10 : memref<144x256xf32, #tpu.memory_space<vmem>>) target(%dma_start3A_102 : memref<144x256xf32, #tpu.memory_space<hbm>>) target_semaphore(%run_scoped3A : memref<!tpu.dma_semaphore, #tpu.memory_space<semaphore_mem>>)
        %dma_wait3A_103 = arith.constant 0 : i32
        %dma_wait3A_104 = tpu.memref_slice %arg6[%add3A_64, %dma_wait3A_103] : memref<4608x256xf32, #tpu.memory_space<hbm>> -> memref<144x256xf32, #tpu.memory_space<hbm>>
        %dma_wait3A_105 = arith.constant 0 : i32
        %dma_wait3A_106 = tpu.memref_slice %arg6[%add3A_64, %dma_wait3A_105] : memref<4608x256xf32, #tpu.memory_space<hbm>> -> memref<144x256xf32, #tpu.memory_space<hbm>>
        tpu.wait_dma2 semaphore(%run_scoped3A : memref<!tpu.dma_semaphore, #tpu.memory_space<semaphore_mem>>) src(%arg10 : memref<144x256xf32, #tpu.memory_space<vmem>>) dst(%dma_wait3A_106 : memref<144x256xf32, #tpu.memory_space<hbm>>)
        tpu.yield
      }) : () -> ()
      "tpu.region"() ({
        %run_scoped3A = tpu.sem_alloc : memref<!tpu.dma_semaphore, #tpu.memory_space<semaphore_mem>>
        %dma_start3A_99 = arith.constant 256 : i32
        %dma_start3A_100 = tpu.memref_slice %arg4[%add3A_64, %dma_start3A_99] : memref<4608x1024xf32, #tpu.memory_space<hbm>> -> memref<144x256xf32, #tpu.memory_space<hbm>>
        %dma_start3A_101 = arith.constant 256 : i32
        %dma_start3A_102 = tpu.memref_slice %arg4[%add3A_64, %dma_start3A_101] : memref<4608x1024xf32, #tpu.memory_space<hbm>> -> memref<144x256xf32, #tpu.memory_space<hbm>>
        tpu.enqueue_dma source(%arg10 : memref<144x256xf32, #tpu.memory_space<vmem>>) target(%dma_start3A_102 : memref<144x256xf32, #tpu.memory_space<hbm>>) target_semaphore(%run_scoped3A : memref<!tpu.dma_semaphore, #tpu.memory_space<semaphore_mem>>)
        %dma_wait3A_103 = arith.constant 256 : i32
        %dma_wait3A_104 = tpu.memref_slice %arg4[%add3A_64, %dma_wait3A_103] : memref<4608x1024xf32, #tpu.memory_space<hbm>> -> memref<144x256xf32, #tpu.memory_space<hbm>>
        %dma_wait3A_105 = arith.constant 256 : i32
        %dma_wait3A_106 = tpu.memref_slice %arg4[%add3A_64, %dma_wait3A_105] : memref<4608x1024xf32, #tpu.memory_space<hbm>> -> memref<144x256xf32, #tpu.memory_space<hbm>>
        tpu.wait_dma2 semaphore(%run_scoped3A : memref<!tpu.dma_semaphore, #tpu.memory_space<semaphore_mem>>) src(%arg10 : memref<144x256xf32, #tpu.memory_space<vmem>>) dst(%dma_wait3A_106 : memref<144x256xf32, #tpu.memory_space<hbm>>)
        tpu.yield
      }) : () -> ()
      %add3A_75 = arith.constant 288 : i32
      %add3A_76 = arith.addi %mul3A_50, %add3A_75 : i32
      %dma_start3A_77 = arith.constant 288 : i32
      %dma_start3A_78 = tpu.memref_slice %arg9[%dma_start3A_77] : memref<576xi32, #tpu.memory_space<vmem>> -> memref<144xi32, #tpu.memory_space<vmem>>
      %dma_start3A_79 = arith.constant 0 : i32
      %dma_start3A_80 = arith.constant 0 : i32
      %dma_start3A_81 = tpu.memref_slice %arg2[%dma_start3A_79, %dma_start3A_80] : memref<4096x256xf32, #tpu.memory_space<hbm>> -> memref<4096x256xf32, #tpu.memory_space<hbm>>
      tpu.enqueue_indirect_dma source(%dma_start3A_81 : memref<4096x256xf32, #tpu.memory_space<hbm>>) target(%arg10 : memref<144x256xf32, #tpu.memory_space<vmem>>) offsets(%dma_start3A_78 : memref<144xi32, #tpu.memory_space<vmem>>) semaphore(%arg11 : memref<!tpu.dma_semaphore, #tpu.memory_space<semaphore_mem>>)
      %dma_wait3A_82 = arith.constant 288 : i32
      %dma_wait3A_83 = tpu.memref_slice %arg9[%dma_wait3A_82] : memref<576xi32, #tpu.memory_space<vmem>> -> memref<144xi32, #tpu.memory_space<vmem>>
      %dma_wait3A_84 = arith.constant 0 : i32
      %dma_wait3A_85 = arith.constant 0 : i32
      %dma_wait3A_86 = tpu.memref_slice %arg2[%dma_wait3A_84, %dma_wait3A_85] : memref<4096x256xf32, #tpu.memory_space<hbm>> -> memref<4096x256xf32, #tpu.memory_space<hbm>>
      tpu.wait_indirect_dma semaphore(%arg11 : memref<!tpu.dma_semaphore, #tpu.memory_space<semaphore_mem>>) src(%dma_wait3A_86 : memref<4096x256xf32, #tpu.memory_space<hbm>>) dst(%arg10 : memref<144x256xf32, #tpu.memory_space<vmem>>)
      "tpu.region"() ({
        %run_scoped3A = tpu.sem_alloc : memref<!tpu.dma_semaphore, #tpu.memory_space<semaphore_mem>>
        %dma_start3A_99 = arith.constant 0 : i32
        %dma_start3A_100 = tpu.memref_slice %arg6[%add3A_76, %dma_start3A_99] : memref<4608x256xf32, #tpu.memory_space<hbm>> -> memref<144x256xf32, #tpu.memory_space<hbm>>
        %dma_start3A_101 = arith.constant 0 : i32
        %dma_start3A_102 = tpu.memref_slice %arg6[%add3A_76, %dma_start3A_101] : memref<4608x256xf32, #tpu.memory_space<hbm>> -> memref<144x256xf32, #tpu.memory_space<hbm>>
        tpu.enqueue_dma source(%arg10 : memref<144x256xf32, #tpu.memory_space<vmem>>) target(%dma_start3A_102 : memref<144x256xf32, #tpu.memory_space<hbm>>) target_semaphore(%run_scoped3A : memref<!tpu.dma_semaphore, #tpu.memory_space<semaphore_mem>>)
        %dma_wait3A_103 = arith.constant 0 : i32
        %dma_wait3A_104 = tpu.memref_slice %arg6[%add3A_76, %dma_wait3A_103] : memref<4608x256xf32, #tpu.memory_space<hbm>> -> memref<144x256xf32, #tpu.memory_space<hbm>>
        %dma_wait3A_105 = arith.constant 0 : i32
        %dma_wait3A_106 = tpu.memref_slice %arg6[%add3A_76, %dma_wait3A_105] : memref<4608x256xf32, #tpu.memory_space<hbm>> -> memref<144x256xf32, #tpu.memory_space<hbm>>
        tpu.wait_dma2 semaphore(%run_scoped3A : memref<!tpu.dma_semaphore, #tpu.memory_space<semaphore_mem>>) src(%arg10 : memref<144x256xf32, #tpu.memory_space<vmem>>) dst(%dma_wait3A_106 : memref<144x256xf32, #tpu.memory_space<hbm>>)
        tpu.yield
      }) : () -> ()
      "tpu.region"() ({
        %run_scoped3A = tpu.sem_alloc : memref<!tpu.dma_semaphore, #tpu.memory_space<semaphore_mem>>
        %dma_start3A_99 = arith.constant 256 : i32
        %dma_start3A_100 = tpu.memref_slice %arg4[%add3A_76, %dma_start3A_99] : memref<4608x1024xf32, #tpu.memory_space<hbm>> -> memref<144x256xf32, #tpu.memory_space<hbm>>
        %dma_start3A_101 = arith.constant 256 : i32
        %dma_start3A_102 = tpu.memref_slice %arg4[%add3A_76, %dma_start3A_101] : memref<4608x1024xf32, #tpu.memory_space<hbm>> -> memref<144x256xf32, #tpu.memory_space<hbm>>
        tpu.enqueue_dma source(%arg10 : memref<144x256xf32, #tpu.memory_space<vmem>>) target(%dma_start3A_102 : memref<144x256xf32, #tpu.memory_space<hbm>>) target_semaphore(%run_scoped3A : memref<!tpu.dma_semaphore, #tpu.memory_space<semaphore_mem>>)
        %dma_wait3A_103 = arith.constant 256 : i32
        %dma_wait3A_104 = tpu.memref_slice %arg4[%add3A_76, %dma_wait3A_103] : memref<4608x1024xf32, #tpu.memory_space<hbm>> -> memref<144x256xf32, #tpu.memory_space<hbm>>
        %dma_wait3A_105 = arith.constant 256 : i32
        %dma_wait3A_106 = tpu.memref_slice %arg4[%add3A_76, %dma_wait3A_105] : memref<4608x1024xf32, #tpu.memory_space<hbm>> -> memref<144x256xf32, #tpu.memory_space<hbm>>
        tpu.wait_dma2 semaphore(%run_scoped3A : memref<!tpu.dma_semaphore, #tpu.memory_space<semaphore_mem>>) src(%arg10 : memref<144x256xf32, #tpu.memory_space<vmem>>) dst(%dma_wait3A_106 : memref<144x256xf32, #tpu.memory_space<hbm>>)
        tpu.yield
      }) : () -> ()
      %add3A_87 = arith.constant 432 : i32
      %add3A_88 = arith.addi %mul3A_50, %add3A_87 : i32
      %dma_start3A_89 = arith.constant 432 : i32
      %dma_start3A_90 = tpu.memref_slice %arg9[%dma_start3A_89] : memref<576xi32, #tpu.memory_space<vmem>> -> memref<144xi32, #tpu.memory_space<vmem>>
      %dma_start3A_91 = arith.constant 0 : i32
      %dma_start3A_92 = arith.constant 0 : i32
      %dma_start3A_93 = tpu.memref_slice %arg2[%dma_start3A_91, %dma_start3A_92] : memref<4096x256xf32, #tpu.memory_space<hbm>> -> memref<4096x256xf32, #tpu.memory_space<hbm>>
      tpu.enqueue_indirect_dma source(%dma_start3A_93 : memref<4096x256xf32, #tpu.memory_space<hbm>>) target(%arg10 : memref<144x256xf32, #tpu.memory_space<vmem>>) offsets(%dma_start3A_90 : memref<144xi32, #tpu.memory_space<vmem>>) semaphore(%arg11 : memref<!tpu.dma_semaphore, #tpu.memory_space<semaphore_mem>>)
      %dma_wait3A_94 = arith.constant 432 : i32
      %dma_wait3A_95 = tpu.memref_slice %arg9[%dma_wait3A_94] : memref<576xi32, #tpu.memory_space<vmem>> -> memref<144xi32, #tpu.memory_space<vmem>>
      %dma_wait3A_96 = arith.constant 0 : i32
      %dma_wait3A_97 = arith.constant 0 : i32
      %dma_wait3A_98 = tpu.memref_slice %arg2[%dma_wait3A_96, %dma_wait3A_97] : memref<4096x256xf32, #tpu.memory_space<hbm>> -> memref<4096x256xf32, #tpu.memory_space<hbm>>
      tpu.wait_indirect_dma semaphore(%arg11 : memref<!tpu.dma_semaphore, #tpu.memory_space<semaphore_mem>>) src(%dma_wait3A_98 : memref<4096x256xf32, #tpu.memory_space<hbm>>) dst(%arg10 : memref<144x256xf32, #tpu.memory_space<vmem>>)
      "tpu.region"() ({
        %run_scoped3A = tpu.sem_alloc : memref<!tpu.dma_semaphore, #tpu.memory_space<semaphore_mem>>
        %dma_start3A_99 = arith.constant 0 : i32
        %dma_start3A_100 = tpu.memref_slice %arg6[%add3A_88, %dma_start3A_99] : memref<4608x256xf32, #tpu.memory_space<hbm>> -> memref<144x256xf32, #tpu.memory_space<hbm>>
        %dma_start3A_101 = arith.constant 0 : i32
        %dma_start3A_102 = tpu.memref_slice %arg6[%add3A_88, %dma_start3A_101] : memref<4608x256xf32, #tpu.memory_space<hbm>> -> memref<144x256xf32, #tpu.memory_space<hbm>>
        tpu.enqueue_dma source(%arg10 : memref<144x256xf32, #tpu.memory_space<vmem>>) target(%dma_start3A_102 : memref<144x256xf32, #tpu.memory_space<hbm>>) target_semaphore(%run_scoped3A : memref<!tpu.dma_semaphore, #tpu.memory_space<semaphore_mem>>)
        %dma_wait3A_103 = arith.constant 0 : i32
        %dma_wait3A_104 = tpu.memref_slice %arg6[%add3A_88, %dma_wait3A_103] : memref<4608x256xf32, #tpu.memory_space<hbm>> -> memref<144x256xf32, #tpu.memory_space<hbm>>
        %dma_wait3A_105 = arith.constant 0 : i32
        %dma_wait3A_106 = tpu.memref_slice %arg6[%add3A_88, %dma_wait3A_105] : memref<4608x256xf32, #tpu.memory_space<hbm>> -> memref<144x256xf32, #tpu.memory_space<hbm>>
        tpu.wait_dma2 semaphore(%run_scoped3A : memref<!tpu.dma_semaphore, #tpu.memory_space<semaphore_mem>>) src(%arg10 : memref<144x256xf32, #tpu.memory_space<vmem>>) dst(%dma_wait3A_106 : memref<144x256xf32, #tpu.memory_space<hbm>>)
        tpu.yield
      }) : () -> ()
      "tpu.region"() ({
        %run_scoped3A = tpu.sem_alloc : memref<!tpu.dma_semaphore, #tpu.memory_space<semaphore_mem>>
        %dma_start3A_99 = arith.constant 256 : i32
        %dma_start3A_100 = tpu.memref_slice %arg4[%add3A_88, %dma_start3A_99] : memref<4608x1024xf32, #tpu.memory_space<hbm>> -> memref<144x256xf32, #tpu.memory_space<hbm>>
        %dma_start3A_101 = arith.constant 256 : i32
        %dma_start3A_102 = tpu.memref_slice %arg4[%add3A_88, %dma_start3A_101] : memref<4608x1024xf32, #tpu.memory_space<hbm>> -> memref<144x256xf32, #tpu.memory_space<hbm>>
        tpu.enqueue_dma source(%arg10 : memref<144x256xf32, #tpu.memory_space<vmem>>) target(%dma_start3A_102 : memref<144x256xf32, #tpu.memory_space<hbm>>) target_semaphore(%run_scoped3A : memref<!tpu.dma_semaphore, #tpu.memory_space<semaphore_mem>>)
        %dma_wait3A_103 = arith.constant 256 : i32
        %dma_wait3A_104 = tpu.memref_slice %arg4[%add3A_88, %dma_wait3A_103] : memref<4608x1024xf32, #tpu.memory_space<hbm>> -> memref<144x256xf32, #tpu.memory_space<hbm>>
        %dma_wait3A_105 = arith.constant 256 : i32
        %dma_wait3A_106 = tpu.memref_slice %arg4[%add3A_88, %dma_wait3A_105] : memref<4608x1024xf32, #tpu.memory_space<hbm>> -> memref<144x256xf32, #tpu.memory_space<hbm>>
        tpu.wait_dma2 semaphore(%run_scoped3A : memref<!tpu.dma_semaphore, #tpu.memory_space<semaphore_mem>>) src(%arg10 : memref<144x256xf32, #tpu.memory_space<vmem>>) dst(%dma_wait3A_106 : memref<144x256xf32, #tpu.memory_space<hbm>>)
        tpu.yield
      }) : () -> ()
    } else {
    }
    %eq3A_39 = arith.constant 2 : i32
    %eq3A_40 = arith.cmpi eq, %select_n3A, %eq3A_39 : i32
    %convert_element_type3A_41 = arith.extui %eq3A_40 : i1 to i32
    %cond3A_42 = arith.constant 0 : i32
    %cond3A_43 = arith.cmpi ne, %convert_element_type3A_41, %cond3A_42 : i32
    scf.if %cond3A_43 {
      %mul3A_49 = arith.constant 576 : i32
      %mul3A_50 = arith.muli %select_n3A_30, %mul3A_49 : i32
      %add3A_51 = arith.constant 9216 : i32
      %add3A_52 = arith.addi %add3A_51, %mul3A_50 : i32
      "tpu.region"() ({
        %run_scoped3A = tpu.sem_alloc : memref<!tpu.dma_semaphore, #tpu.memory_space<semaphore_mem>>
        %dma_start3A_99 = tpu.memref_slice %arg3[%add3A_52] : memref<18432xi32, #tpu.memory_space<hbm>> -> memref<576xi32, #tpu.memory_space<hbm>>
        %dma_start3A_100 = tpu.memref_slice %arg3[%add3A_52] : memref<18432xi32, #tpu.memory_space<hbm>> -> memref<576xi32, #tpu.memory_space<hbm>>
        tpu.enqueue_dma source(%dma_start3A_100 : memref<576xi32, #tpu.memory_space<hbm>>) target(%arg9 : memref<576xi32, #tpu.memory_space<vmem>>) target_semaphore(%run_scoped3A : memref<!tpu.dma_semaphore, #tpu.memory_space<semaphore_mem>>)
        %dma_wait3A_101 = tpu.memref_slice %arg3[%add3A_52] : memref<18432xi32, #tpu.memory_space<hbm>> -> memref<576xi32, #tpu.memory_space<hbm>>
        %dma_wait3A_102 = tpu.memref_slice %arg3[%add3A_52] : memref<18432xi32, #tpu.memory_space<hbm>> -> memref<576xi32, #tpu.memory_space<hbm>>
        tpu.wait_dma2 semaphore(%run_scoped3A : memref<!tpu.dma_semaphore, #tpu.memory_space<semaphore_mem>>) src(%dma_wait3A_102 : memref<576xi32, #tpu.memory_space<hbm>>) dst(%arg9 : memref<576xi32, #tpu.memory_space<vmem>>)
        tpu.yield
      }) : () -> ()
      %add3A_53 = arith.constant 0 : i32
      %add3A_54 = arith.addi %mul3A_50, %add3A_53 : i32
      %dma_start3A = arith.constant 0 : i32
      %dma_start3A_55 = tpu.memref_slice %arg9[%dma_start3A] : memref<576xi32, #tpu.memory_space<vmem>> -> memref<144xi32, #tpu.memory_space<vmem>>
      %dma_start3A_56 = arith.constant 0 : i32
      %dma_start3A_57 = arith.constant 0 : i32
      %dma_start3A_58 = tpu.memref_slice %arg2[%dma_start3A_56, %dma_start3A_57] : memref<4096x256xf32, #tpu.memory_space<hbm>> -> memref<4096x256xf32, #tpu.memory_space<hbm>>
      tpu.enqueue_indirect_dma source(%dma_start3A_58 : memref<4096x256xf32, #tpu.memory_space<hbm>>) target(%arg10 : memref<144x256xf32, #tpu.memory_space<vmem>>) offsets(%dma_start3A_55 : memref<144xi32, #tpu.memory_space<vmem>>) semaphore(%arg11 : memref<!tpu.dma_semaphore, #tpu.memory_space<semaphore_mem>>)
      %dma_wait3A = arith.constant 0 : i32
      %dma_wait3A_59 = tpu.memref_slice %arg9[%dma_wait3A] : memref<576xi32, #tpu.memory_space<vmem>> -> memref<144xi32, #tpu.memory_space<vmem>>
      %dma_wait3A_60 = arith.constant 0 : i32
      %dma_wait3A_61 = arith.constant 0 : i32
      %dma_wait3A_62 = tpu.memref_slice %arg2[%dma_wait3A_60, %dma_wait3A_61] : memref<4096x256xf32, #tpu.memory_space<hbm>> -> memref<4096x256xf32, #tpu.memory_space<hbm>>
      tpu.wait_indirect_dma semaphore(%arg11 : memref<!tpu.dma_semaphore, #tpu.memory_space<semaphore_mem>>) src(%dma_wait3A_62 : memref<4096x256xf32, #tpu.memory_space<hbm>>) dst(%arg10 : memref<144x256xf32, #tpu.memory_space<vmem>>)
      "tpu.region"() ({
        %run_scoped3A = tpu.sem_alloc : memref<!tpu.dma_semaphore, #tpu.memory_space<semaphore_mem>>
        %dma_start3A_99 = arith.constant 0 : i32
        %dma_start3A_100 = tpu.memref_slice %arg7[%add3A_54, %dma_start3A_99] : memref<4608x256xf32, #tpu.memory_space<hbm>> -> memref<144x256xf32, #tpu.memory_space<hbm>>
        %dma_start3A_101 = arith.constant 0 : i32
        %dma_start3A_102 = tpu.memref_slice %arg7[%add3A_54, %dma_start3A_101] : memref<4608x256xf32, #tpu.memory_space<hbm>> -> memref<144x256xf32, #tpu.memory_space<hbm>>
        tpu.enqueue_dma source(%arg10 : memref<144x256xf32, #tpu.memory_space<vmem>>) target(%dma_start3A_102 : memref<144x256xf32, #tpu.memory_space<hbm>>) target_semaphore(%run_scoped3A : memref<!tpu.dma_semaphore, #tpu.memory_space<semaphore_mem>>)
        %dma_wait3A_103 = arith.constant 0 : i32
        %dma_wait3A_104 = tpu.memref_slice %arg7[%add3A_54, %dma_wait3A_103] : memref<4608x256xf32, #tpu.memory_space<hbm>> -> memref<144x256xf32, #tpu.memory_space<hbm>>
        %dma_wait3A_105 = arith.constant 0 : i32
        %dma_wait3A_106 = tpu.memref_slice %arg7[%add3A_54, %dma_wait3A_105] : memref<4608x256xf32, #tpu.memory_space<hbm>> -> memref<144x256xf32, #tpu.memory_space<hbm>>
        tpu.wait_dma2 semaphore(%run_scoped3A : memref<!tpu.dma_semaphore, #tpu.memory_space<semaphore_mem>>) src(%arg10 : memref<144x256xf32, #tpu.memory_space<vmem>>) dst(%dma_wait3A_106 : memref<144x256xf32, #tpu.memory_space<hbm>>)
        tpu.yield
      }) : () -> ()
      "tpu.region"() ({
        %run_scoped3A = tpu.sem_alloc : memref<!tpu.dma_semaphore, #tpu.memory_space<semaphore_mem>>
        %dma_start3A_99 = arith.constant 512 : i32
        %dma_start3A_100 = tpu.memref_slice %arg4[%add3A_54, %dma_start3A_99] : memref<4608x1024xf32, #tpu.memory_space<hbm>> -> memref<144x256xf32, #tpu.memory_space<hbm>>
        %dma_start3A_101 = arith.constant 512 : i32
        %dma_start3A_102 = tpu.memref_slice %arg4[%add3A_54, %dma_start3A_101] : memref<4608x1024xf32, #tpu.memory_space<hbm>> -> memref<144x256xf32, #tpu.memory_space<hbm>>
        tpu.enqueue_dma source(%arg10 : memref<144x256xf32, #tpu.memory_space<vmem>>) target(%dma_start3A_102 : memref<144x256xf32, #tpu.memory_space<hbm>>) target_semaphore(%run_scoped3A : memref<!tpu.dma_semaphore, #tpu.memory_space<semaphore_mem>>)
        %dma_wait3A_103 = arith.constant 512 : i32
        %dma_wait3A_104 = tpu.memref_slice %arg4[%add3A_54, %dma_wait3A_103] : memref<4608x1024xf32, #tpu.memory_space<hbm>> -> memref<144x256xf32, #tpu.memory_space<hbm>>
        %dma_wait3A_105 = arith.constant 512 : i32
        %dma_wait3A_106 = tpu.memref_slice %arg4[%add3A_54, %dma_wait3A_105] : memref<4608x1024xf32, #tpu.memory_space<hbm>> -> memref<144x256xf32, #tpu.memory_space<hbm>>
        tpu.wait_dma2 semaphore(%run_scoped3A : memref<!tpu.dma_semaphore, #tpu.memory_space<semaphore_mem>>) src(%arg10 : memref<144x256xf32, #tpu.memory_space<vmem>>) dst(%dma_wait3A_106 : memref<144x256xf32, #tpu.memory_space<hbm>>)
        tpu.yield
      }) : () -> ()
      %add3A_63 = arith.constant 144 : i32
      %add3A_64 = arith.addi %mul3A_50, %add3A_63 : i32
      %dma_start3A_65 = arith.constant 144 : i32
      %dma_start3A_66 = tpu.memref_slice %arg9[%dma_start3A_65] : memref<576xi32, #tpu.memory_space<vmem>> -> memref<144xi32, #tpu.memory_space<vmem>>
      %dma_start3A_67 = arith.constant 0 : i32
      %dma_start3A_68 = arith.constant 0 : i32
      %dma_start3A_69 = tpu.memref_slice %arg2[%dma_start3A_67, %dma_start3A_68] : memref<4096x256xf32, #tpu.memory_space<hbm>> -> memref<4096x256xf32, #tpu.memory_space<hbm>>
      tpu.enqueue_indirect_dma source(%dma_start3A_69 : memref<4096x256xf32, #tpu.memory_space<hbm>>) target(%arg10 : memref<144x256xf32, #tpu.memory_space<vmem>>) offsets(%dma_start3A_66 : memref<144xi32, #tpu.memory_space<vmem>>) semaphore(%arg11 : memref<!tpu.dma_semaphore, #tpu.memory_space<semaphore_mem>>)
      %dma_wait3A_70 = arith.constant 144 : i32
      %dma_wait3A_71 = tpu.memref_slice %arg9[%dma_wait3A_70] : memref<576xi32, #tpu.memory_space<vmem>> -> memref<144xi32, #tpu.memory_space<vmem>>
      %dma_wait3A_72 = arith.constant 0 : i32
      %dma_wait3A_73 = arith.constant 0 : i32
      %dma_wait3A_74 = tpu.memref_slice %arg2[%dma_wait3A_72, %dma_wait3A_73] : memref<4096x256xf32, #tpu.memory_space<hbm>> -> memref<4096x256xf32, #tpu.memory_space<hbm>>
      tpu.wait_indirect_dma semaphore(%arg11 : memref<!tpu.dma_semaphore, #tpu.memory_space<semaphore_mem>>) src(%dma_wait3A_74 : memref<4096x256xf32, #tpu.memory_space<hbm>>) dst(%arg10 : memref<144x256xf32, #tpu.memory_space<vmem>>)
      "tpu.region"() ({
        %run_scoped3A = tpu.sem_alloc : memref<!tpu.dma_semaphore, #tpu.memory_space<semaphore_mem>>
        %dma_start3A_99 = arith.constant 0 : i32
        %dma_start3A_100 = tpu.memref_slice %arg7[%add3A_64, %dma_start3A_99] : memref<4608x256xf32, #tpu.memory_space<hbm>> -> memref<144x256xf32, #tpu.memory_space<hbm>>
        %dma_start3A_101 = arith.constant 0 : i32
        %dma_start3A_102 = tpu.memref_slice %arg7[%add3A_64, %dma_start3A_101] : memref<4608x256xf32, #tpu.memory_space<hbm>> -> memref<144x256xf32, #tpu.memory_space<hbm>>
        tpu.enqueue_dma source(%arg10 : memref<144x256xf32, #tpu.memory_space<vmem>>) target(%dma_start3A_102 : memref<144x256xf32, #tpu.memory_space<hbm>>) target_semaphore(%run_scoped3A : memref<!tpu.dma_semaphore, #tpu.memory_space<semaphore_mem>>)
        %dma_wait3A_103 = arith.constant 0 : i32
        %dma_wait3A_104 = tpu.memref_slice %arg7[%add3A_64, %dma_wait3A_103] : memref<4608x256xf32, #tpu.memory_space<hbm>> -> memref<144x256xf32, #tpu.memory_space<hbm>>
        %dma_wait3A_105 = arith.constant 0 : i32
        %dma_wait3A_106 = tpu.memref_slice %arg7[%add3A_64, %dma_wait3A_105] : memref<4608x256xf32, #tpu.memory_space<hbm>> -> memref<144x256xf32, #tpu.memory_space<hbm>>
        tpu.wait_dma2 semaphore(%run_scoped3A : memref<!tpu.dma_semaphore, #tpu.memory_space<semaphore_mem>>) src(%arg10 : memref<144x256xf32, #tpu.memory_space<vmem>>) dst(%dma_wait3A_106 : memref<144x256xf32, #tpu.memory_space<hbm>>)
        tpu.yield
      }) : () -> ()
      "tpu.region"() ({
        %run_scoped3A = tpu.sem_alloc : memref<!tpu.dma_semaphore, #tpu.memory_space<semaphore_mem>>
        %dma_start3A_99 = arith.constant 512 : i32
        %dma_start3A_100 = tpu.memref_slice %arg4[%add3A_64, %dma_start3A_99] : memref<4608x1024xf32, #tpu.memory_space<hbm>> -> memref<144x256xf32, #tpu.memory_space<hbm>>
        %dma_start3A_101 = arith.constant 512 : i32
        %dma_start3A_102 = tpu.memref_slice %arg4[%add3A_64, %dma_start3A_101] : memref<4608x1024xf32, #tpu.memory_space<hbm>> -> memref<144x256xf32, #tpu.memory_space<hbm>>
        tpu.enqueue_dma source(%arg10 : memref<144x256xf32, #tpu.memory_space<vmem>>) target(%dma_start3A_102 : memref<144x256xf32, #tpu.memory_space<hbm>>) target_semaphore(%run_scoped3A : memref<!tpu.dma_semaphore, #tpu.memory_space<semaphore_mem>>)
        %dma_wait3A_103 = arith.constant 512 : i32
        %dma_wait3A_104 = tpu.memref_slice %arg4[%add3A_64, %dma_wait3A_103] : memref<4608x1024xf32, #tpu.memory_space<hbm>> -> memref<144x256xf32, #tpu.memory_space<hbm>>
        %dma_wait3A_105 = arith.constant 512 : i32
        %dma_wait3A_106 = tpu.memref_slice %arg4[%add3A_64, %dma_wait3A_105] : memref<4608x1024xf32, #tpu.memory_space<hbm>> -> memref<144x256xf32, #tpu.memory_space<hbm>>
        tpu.wait_dma2 semaphore(%run_scoped3A : memref<!tpu.dma_semaphore, #tpu.memory_space<semaphore_mem>>) src(%arg10 : memref<144x256xf32, #tpu.memory_space<vmem>>) dst(%dma_wait3A_106 : memref<144x256xf32, #tpu.memory_space<hbm>>)
        tpu.yield
      }) : () -> ()
      %add3A_75 = arith.constant 288 : i32
      %add3A_76 = arith.addi %mul3A_50, %add3A_75 : i32
      %dma_start3A_77 = arith.constant 288 : i32
      %dma_start3A_78 = tpu.memref_slice %arg9[%dma_start3A_77] : memref<576xi32, #tpu.memory_space<vmem>> -> memref<144xi32, #tpu.memory_space<vmem>>
      %dma_start3A_79 = arith.constant 0 : i32
      %dma_start3A_80 = arith.constant 0 : i32
      %dma_start3A_81 = tpu.memref_slice %arg2[%dma_start3A_79, %dma_start3A_80] : memref<4096x256xf32, #tpu.memory_space<hbm>> -> memref<4096x256xf32, #tpu.memory_space<hbm>>
      tpu.enqueue_indirect_dma source(%dma_start3A_81 : memref<4096x256xf32, #tpu.memory_space<hbm>>) target(%arg10 : memref<144x256xf32, #tpu.memory_space<vmem>>) offsets(%dma_start3A_78 : memref<144xi32, #tpu.memory_space<vmem>>) semaphore(%arg11 : memref<!tpu.dma_semaphore, #tpu.memory_space<semaphore_mem>>)
      %dma_wait3A_82 = arith.constant 288 : i32
      %dma_wait3A_83 = tpu.memref_slice %arg9[%dma_wait3A_82] : memref<576xi32, #tpu.memory_space<vmem>> -> memref<144xi32, #tpu.memory_space<vmem>>
      %dma_wait3A_84 = arith.constant 0 : i32
      %dma_wait3A_85 = arith.constant 0 : i32
      %dma_wait3A_86 = tpu.memref_slice %arg2[%dma_wait3A_84, %dma_wait3A_85] : memref<4096x256xf32, #tpu.memory_space<hbm>> -> memref<4096x256xf32, #tpu.memory_space<hbm>>
      tpu.wait_indirect_dma semaphore(%arg11 : memref<!tpu.dma_semaphore, #tpu.memory_space<semaphore_mem>>) src(%dma_wait3A_86 : memref<4096x256xf32, #tpu.memory_space<hbm>>) dst(%arg10 : memref<144x256xf32, #tpu.memory_space<vmem>>)
      "tpu.region"() ({
        %run_scoped3A = tpu.sem_alloc : memref<!tpu.dma_semaphore, #tpu.memory_space<semaphore_mem>>
        %dma_start3A_99 = arith.constant 0 : i32
        %dma_start3A_100 = tpu.memref_slice %arg7[%add3A_76, %dma_start3A_99] : memref<4608x256xf32, #tpu.memory_space<hbm>> -> memref<144x256xf32, #tpu.memory_space<hbm>>
        %dma_start3A_101 = arith.constant 0 : i32
        %dma_start3A_102 = tpu.memref_slice %arg7[%add3A_76, %dma_start3A_101] : memref<4608x256xf32, #tpu.memory_space<hbm>> -> memref<144x256xf32, #tpu.memory_space<hbm>>
        tpu.enqueue_dma source(%arg10 : memref<144x256xf32, #tpu.memory_space<vmem>>) target(%dma_start3A_102 : memref<144x256xf32, #tpu.memory_space<hbm>>) target_semaphore(%run_scoped3A : memref<!tpu.dma_semaphore, #tpu.memory_space<semaphore_mem>>)
        %dma_wait3A_103 = arith.constant 0 : i32
        %dma_wait3A_104 = tpu.memref_slice %arg7[%add3A_76, %dma_wait3A_103] : memref<4608x256xf32, #tpu.memory_space<hbm>> -> memref<144x256xf32, #tpu.memory_space<hbm>>
        %dma_wait3A_105 = arith.constant 0 : i32
        %dma_wait3A_106 = tpu.memref_slice %arg7[%add3A_76, %dma_wait3A_105] : memref<4608x256xf32, #tpu.memory_space<hbm>> -> memref<144x256xf32, #tpu.memory_space<hbm>>
        tpu.wait_dma2 semaphore(%run_scoped3A : memref<!tpu.dma_semaphore, #tpu.memory_space<semaphore_mem>>) src(%arg10 : memref<144x256xf32, #tpu.memory_space<vmem>>) dst(%dma_wait3A_106 : memref<144x256xf32, #tpu.memory_space<hbm>>)
        tpu.yield
      }) : () -> ()
      "tpu.region"() ({
        %run_scoped3A = tpu.sem_alloc : memref<!tpu.dma_semaphore, #tpu.memory_space<semaphore_mem>>
        %dma_start3A_99 = arith.constant 512 : i32
        %dma_start3A_100 = tpu.memref_slice %arg4[%add3A_76, %dma_start3A_99] : memref<4608x1024xf32, #tpu.memory_space<hbm>> -> memref<144x256xf32, #tpu.memory_space<hbm>>
        %dma_start3A_101 = arith.constant 512 : i32
        %dma_start3A_102 = tpu.memref_slice %arg4[%add3A_76, %dma_start3A_101] : memref<4608x1024xf32, #tpu.memory_space<hbm>> -> memref<144x256xf32, #tpu.memory_space<hbm>>
        tpu.enqueue_dma source(%arg10 : memref<144x256xf32, #tpu.memory_space<vmem>>) target(%dma_start3A_102 : memref<144x256xf32, #tpu.memory_space<hbm>>) target_semaphore(%run_scoped3A : memref<!tpu.dma_semaphore, #tpu.memory_space<semaphore_mem>>)
        %dma_wait3A_103 = arith.constant 512 : i32
        %dma_wait3A_104 = tpu.memref_slice %arg4[%add3A_76, %dma_wait3A_103] : memref<4608x1024xf32, #tpu.memory_space<hbm>> -> memref<144x256xf32, #tpu.memory_space<hbm>>
        %dma_wait3A_105 = arith.constant 512 : i32
        %dma_wait3A_106 = tpu.memref_slice %arg4[%add3A_76, %dma_wait3A_105] : memref<4608x1024xf32, #tpu.memory_space<hbm>> -> memref<144x256xf32, #tpu.memory_space<hbm>>
        tpu.wait_dma2 semaphore(%run_scoped3A : memref<!tpu.dma_semaphore, #tpu.memory_space<semaphore_mem>>) src(%arg10 : memref<144x256xf32, #tpu.memory_space<vmem>>) dst(%dma_wait3A_106 : memref<144x256xf32, #tpu.memory_space<hbm>>)
        tpu.yield
      }) : () -> ()
      %add3A_87 = arith.constant 432 : i32
      %add3A_88 = arith.addi %mul3A_50, %add3A_87 : i32
      %dma_start3A_89 = arith.constant 432 : i32
      %dma_start3A_90 = tpu.memref_slice %arg9[%dma_start3A_89] : memref<576xi32, #tpu.memory_space<vmem>> -> memref<144xi32, #tpu.memory_space<vmem>>
      %dma_start3A_91 = arith.constant 0 : i32
      %dma_start3A_92 = arith.constant 0 : i32
      %dma_start3A_93 = tpu.memref_slice %arg2[%dma_start3A_91, %dma_start3A_92] : memref<4096x256xf32, #tpu.memory_space<hbm>> -> memref<4096x256xf32, #tpu.memory_space<hbm>>
      tpu.enqueue_indirect_dma source(%dma_start3A_93 : memref<4096x256xf32, #tpu.memory_space<hbm>>) target(%arg10 : memref<144x256xf32, #tpu.memory_space<vmem>>) offsets(%dma_start3A_90 : memref<144xi32, #tpu.memory_space<vmem>>) semaphore(%arg11 : memref<!tpu.dma_semaphore, #tpu.memory_space<semaphore_mem>>)
      %dma_wait3A_94 = arith.constant 432 : i32
      %dma_wait3A_95 = tpu.memref_slice %arg9[%dma_wait3A_94] : memref<576xi32, #tpu.memory_space<vmem>> -> memref<144xi32, #tpu.memory_space<vmem>>
      %dma_wait3A_96 = arith.constant 0 : i32
      %dma_wait3A_97 = arith.constant 0 : i32
      %dma_wait3A_98 = tpu.memref_slice %arg2[%dma_wait3A_96, %dma_wait3A_97] : memref<4096x256xf32, #tpu.memory_space<hbm>> -> memref<4096x256xf32, #tpu.memory_space<hbm>>
      tpu.wait_indirect_dma semaphore(%arg11 : memref<!tpu.dma_semaphore, #tpu.memory_space<semaphore_mem>>) src(%dma_wait3A_98 : memref<4096x256xf32, #tpu.memory_space<hbm>>) dst(%arg10 : memref<144x256xf32, #tpu.memory_space<vmem>>)
      "tpu.region"() ({
        %run_scoped3A = tpu.sem_alloc : memref<!tpu.dma_semaphore, #tpu.memory_space<semaphore_mem>>
        %dma_start3A_99 = arith.constant 0 : i32
        %dma_start3A_100 = tpu.memref_slice %arg7[%add3A_88, %dma_start3A_99] : memref<4608x256xf32, #tpu.memory_space<hbm>> -> memref<144x256xf32, #tpu.memory_space<hbm>>
        %dma_start3A_101 = arith.constant 0 : i32
        %dma_start3A_102 = tpu.memref_slice %arg7[%add3A_88, %dma_start3A_101] : memref<4608x256xf32, #tpu.memory_space<hbm>> -> memref<144x256xf32, #tpu.memory_space<hbm>>
        tpu.enqueue_dma source(%arg10 : memref<144x256xf32, #tpu.memory_space<vmem>>) target(%dma_start3A_102 : memref<144x256xf32, #tpu.memory_space<hbm>>) target_semaphore(%run_scoped3A : memref<!tpu.dma_semaphore, #tpu.memory_space<semaphore_mem>>)
        %dma_wait3A_103 = arith.constant 0 : i32
        %dma_wait3A_104 = tpu.memref_slice %arg7[%add3A_88, %dma_wait3A_103] : memref<4608x256xf32, #tpu.memory_space<hbm>> -> memref<144x256xf32, #tpu.memory_space<hbm>>
        %dma_wait3A_105 = arith.constant 0 : i32
        %dma_wait3A_106 = tpu.memref_slice %arg7[%add3A_88, %dma_wait3A_105] : memref<4608x256xf32, #tpu.memory_space<hbm>> -> memref<144x256xf32, #tpu.memory_space<hbm>>
        tpu.wait_dma2 semaphore(%run_scoped3A : memref<!tpu.dma_semaphore, #tpu.memory_space<semaphore_mem>>) src(%arg10 : memref<144x256xf32, #tpu.memory_space<vmem>>) dst(%dma_wait3A_106 : memref<144x256xf32, #tpu.memory_space<hbm>>)
        tpu.yield
      }) : () -> ()
      "tpu.region"() ({
        %run_scoped3A = tpu.sem_alloc : memref<!tpu.dma_semaphore, #tpu.memory_space<semaphore_mem>>
        %dma_start3A_99 = arith.constant 512 : i32
        %dma_start3A_100 = tpu.memref_slice %arg4[%add3A_88, %dma_start3A_99] : memref<4608x1024xf32, #tpu.memory_space<hbm>> -> memref<144x256xf32, #tpu.memory_space<hbm>>
        %dma_start3A_101 = arith.constant 512 : i32
        %dma_start3A_102 = tpu.memref_slice %arg4[%add3A_88, %dma_start3A_101] : memref<4608x1024xf32, #tpu.memory_space<hbm>> -> memref<144x256xf32, #tpu.memory_space<hbm>>
        tpu.enqueue_dma source(%arg10 : memref<144x256xf32, #tpu.memory_space<vmem>>) target(%dma_start3A_102 : memref<144x256xf32, #tpu.memory_space<hbm>>) target_semaphore(%run_scoped3A : memref<!tpu.dma_semaphore, #tpu.memory_space<semaphore_mem>>)
        %dma_wait3A_103 = arith.constant 512 : i32
        %dma_wait3A_104 = tpu.memref_slice %arg4[%add3A_88, %dma_wait3A_103] : memref<4608x1024xf32, #tpu.memory_space<hbm>> -> memref<144x256xf32, #tpu.memory_space<hbm>>
        %dma_wait3A_105 = arith.constant 512 : i32
        %dma_wait3A_106 = tpu.memref_slice %arg4[%add3A_88, %dma_wait3A_105] : memref<4608x1024xf32, #tpu.memory_space<hbm>> -> memref<144x256xf32, #tpu.memory_space<hbm>>
        tpu.wait_dma2 semaphore(%run_scoped3A : memref<!tpu.dma_semaphore, #tpu.memory_space<semaphore_mem>>) src(%arg10 : memref<144x256xf32, #tpu.memory_space<vmem>>) dst(%dma_wait3A_106 : memref<144x256xf32, #tpu.memory_space<hbm>>)
        tpu.yield
      }) : () -> ()
    } else {
    }
    %eq3A_44 = arith.constant 3 : i32
    %eq3A_45 = arith.cmpi eq, %select_n3A, %eq3A_44 : i32
    %convert_element_type3A_46 = arith.extui %eq3A_45 : i1 to i32
    %cond3A_47 = arith.constant 0 : i32
    %cond3A_48 = arith.cmpi ne, %convert_element_type3A_46, %cond3A_47 : i32
    scf.if %cond3A_48 {
      %mul3A_49 = arith.constant 576 : i32
      %mul3A_50 = arith.muli %select_n3A_30, %mul3A_49 : i32
      %add3A_51 = arith.constant 13824 : i32
      %add3A_52 = arith.addi %add3A_51, %mul3A_50 : i32
      "tpu.region"() ({
        %run_scoped3A = tpu.sem_alloc : memref<!tpu.dma_semaphore, #tpu.memory_space<semaphore_mem>>
        %dma_start3A_99 = tpu.memref_slice %arg3[%add3A_52] : memref<18432xi32, #tpu.memory_space<hbm>> -> memref<576xi32, #tpu.memory_space<hbm>>
        %dma_start3A_100 = tpu.memref_slice %arg3[%add3A_52] : memref<18432xi32, #tpu.memory_space<hbm>> -> memref<576xi32, #tpu.memory_space<hbm>>
        tpu.enqueue_dma source(%dma_start3A_100 : memref<576xi32, #tpu.memory_space<hbm>>) target(%arg9 : memref<576xi32, #tpu.memory_space<vmem>>) target_semaphore(%run_scoped3A : memref<!tpu.dma_semaphore, #tpu.memory_space<semaphore_mem>>)
        %dma_wait3A_101 = tpu.memref_slice %arg3[%add3A_52] : memref<18432xi32, #tpu.memory_space<hbm>> -> memref<576xi32, #tpu.memory_space<hbm>>
        %dma_wait3A_102 = tpu.memref_slice %arg3[%add3A_52] : memref<18432xi32, #tpu.memory_space<hbm>> -> memref<576xi32, #tpu.memory_space<hbm>>
        tpu.wait_dma2 semaphore(%run_scoped3A : memref<!tpu.dma_semaphore, #tpu.memory_space<semaphore_mem>>) src(%dma_wait3A_102 : memref<576xi32, #tpu.memory_space<hbm>>) dst(%arg9 : memref<576xi32, #tpu.memory_space<vmem>>)
        tpu.yield
      }) : () -> ()
      %add3A_53 = arith.constant 0 : i32
      %add3A_54 = arith.addi %mul3A_50, %add3A_53 : i32
      %dma_start3A = arith.constant 0 : i32
      %dma_start3A_55 = tpu.memref_slice %arg9[%dma_start3A] : memref<576xi32, #tpu.memory_space<vmem>> -> memref<144xi32, #tpu.memory_space<vmem>>
      %dma_start3A_56 = arith.constant 0 : i32
      %dma_start3A_57 = arith.constant 0 : i32
      %dma_start3A_58 = tpu.memref_slice %arg2[%dma_start3A_56, %dma_start3A_57] : memref<4096x256xf32, #tpu.memory_space<hbm>> -> memref<4096x256xf32, #tpu.memory_space<hbm>>
      tpu.enqueue_indirect_dma source(%dma_start3A_58 : memref<4096x256xf32, #tpu.memory_space<hbm>>) target(%arg10 : memref<144x256xf32, #tpu.memory_space<vmem>>) offsets(%dma_start3A_55 : memref<144xi32, #tpu.memory_space<vmem>>) semaphore(%arg11 : memref<!tpu.dma_semaphore, #tpu.memory_space<semaphore_mem>>)
      %dma_wait3A = arith.constant 0 : i32
      %dma_wait3A_59 = tpu.memref_slice %arg9[%dma_wait3A] : memref<576xi32, #tpu.memory_space<vmem>> -> memref<144xi32, #tpu.memory_space<vmem>>
      %dma_wait3A_60 = arith.constant 0 : i32
      %dma_wait3A_61 = arith.constant 0 : i32
      %dma_wait3A_62 = tpu.memref_slice %arg2[%dma_wait3A_60, %dma_wait3A_61] : memref<4096x256xf32, #tpu.memory_space<hbm>> -> memref<4096x256xf32, #tpu.memory_space<hbm>>
      tpu.wait_indirect_dma semaphore(%arg11 : memref<!tpu.dma_semaphore, #tpu.memory_space<semaphore_mem>>) src(%dma_wait3A_62 : memref<4096x256xf32, #tpu.memory_space<hbm>>) dst(%arg10 : memref<144x256xf32, #tpu.memory_space<vmem>>)
      "tpu.region"() ({
        %run_scoped3A = tpu.sem_alloc : memref<!tpu.dma_semaphore, #tpu.memory_space<semaphore_mem>>
        %dma_start3A_99 = arith.constant 0 : i32
        %dma_start3A_100 = tpu.memref_slice %arg8[%add3A_54, %dma_start3A_99] : memref<4608x256xf32, #tpu.memory_space<hbm>> -> memref<144x256xf32, #tpu.memory_space<hbm>>
        %dma_start3A_101 = arith.constant 0 : i32
        %dma_start3A_102 = tpu.memref_slice %arg8[%add3A_54, %dma_start3A_101] : memref<4608x256xf32, #tpu.memory_space<hbm>> -> memref<144x256xf32, #tpu.memory_space<hbm>>
        tpu.enqueue_dma source(%arg10 : memref<144x256xf32, #tpu.memory_space<vmem>>) target(%dma_start3A_102 : memref<144x256xf32, #tpu.memory_space<hbm>>) target_semaphore(%run_scoped3A : memref<!tpu.dma_semaphore, #tpu.memory_space<semaphore_mem>>)
        %dma_wait3A_103 = arith.constant 0 : i32
        %dma_wait3A_104 = tpu.memref_slice %arg8[%add3A_54, %dma_wait3A_103] : memref<4608x256xf32, #tpu.memory_space<hbm>> -> memref<144x256xf32, #tpu.memory_space<hbm>>
        %dma_wait3A_105 = arith.constant 0 : i32
        %dma_wait3A_106 = tpu.memref_slice %arg8[%add3A_54, %dma_wait3A_105] : memref<4608x256xf32, #tpu.memory_space<hbm>> -> memref<144x256xf32, #tpu.memory_space<hbm>>
        tpu.wait_dma2 semaphore(%run_scoped3A : memref<!tpu.dma_semaphore, #tpu.memory_space<semaphore_mem>>) src(%arg10 : memref<144x256xf32, #tpu.memory_space<vmem>>) dst(%dma_wait3A_106 : memref<144x256xf32, #tpu.memory_space<hbm>>)
        tpu.yield
      }) : () -> ()
      "tpu.region"() ({
        %run_scoped3A = tpu.sem_alloc : memref<!tpu.dma_semaphore, #tpu.memory_space<semaphore_mem>>
        %dma_start3A_99 = arith.constant 768 : i32
        %dma_start3A_100 = tpu.memref_slice %arg4[%add3A_54, %dma_start3A_99] : memref<4608x1024xf32, #tpu.memory_space<hbm>> -> memref<144x256xf32, #tpu.memory_space<hbm>>
        %dma_start3A_101 = arith.constant 768 : i32
        %dma_start3A_102 = tpu.memref_slice %arg4[%add3A_54, %dma_start3A_101] : memref<4608x1024xf32, #tpu.memory_space<hbm>> -> memref<144x256xf32, #tpu.memory_space<hbm>>
        tpu.enqueue_dma source(%arg10 : memref<144x256xf32, #tpu.memory_space<vmem>>) target(%dma_start3A_102 : memref<144x256xf32, #tpu.memory_space<hbm>>) target_semaphore(%run_scoped3A : memref<!tpu.dma_semaphore, #tpu.memory_space<semaphore_mem>>)
        %dma_wait3A_103 = arith.constant 768 : i32
        %dma_wait3A_104 = tpu.memref_slice %arg4[%add3A_54, %dma_wait3A_103] : memref<4608x1024xf32, #tpu.memory_space<hbm>> -> memref<144x256xf32, #tpu.memory_space<hbm>>
        %dma_wait3A_105 = arith.constant 768 : i32
        %dma_wait3A_106 = tpu.memref_slice %arg4[%add3A_54, %dma_wait3A_105] : memref<4608x1024xf32, #tpu.memory_space<hbm>> -> memref<144x256xf32, #tpu.memory_space<hbm>>
        tpu.wait_dma2 semaphore(%run_scoped3A : memref<!tpu.dma_semaphore, #tpu.memory_space<semaphore_mem>>) src(%arg10 : memref<144x256xf32, #tpu.memory_space<vmem>>) dst(%dma_wait3A_106 : memref<144x256xf32, #tpu.memory_space<hbm>>)
        tpu.yield
      }) : () -> ()
      %add3A_63 = arith.constant 144 : i32
      %add3A_64 = arith.addi %mul3A_50, %add3A_63 : i32
      %dma_start3A_65 = arith.constant 144 : i32
      %dma_start3A_66 = tpu.memref_slice %arg9[%dma_start3A_65] : memref<576xi32, #tpu.memory_space<vmem>> -> memref<144xi32, #tpu.memory_space<vmem>>
      %dma_start3A_67 = arith.constant 0 : i32
      %dma_start3A_68 = arith.constant 0 : i32
      %dma_start3A_69 = tpu.memref_slice %arg2[%dma_start3A_67, %dma_start3A_68] : memref<4096x256xf32, #tpu.memory_space<hbm>> -> memref<4096x256xf32, #tpu.memory_space<hbm>>
      tpu.enqueue_indirect_dma source(%dma_start3A_69 : memref<4096x256xf32, #tpu.memory_space<hbm>>) target(%arg10 : memref<144x256xf32, #tpu.memory_space<vmem>>) offsets(%dma_start3A_66 : memref<144xi32, #tpu.memory_space<vmem>>) semaphore(%arg11 : memref<!tpu.dma_semaphore, #tpu.memory_space<semaphore_mem>>)
      %dma_wait3A_70 = arith.constant 144 : i32
      %dma_wait3A_71 = tpu.memref_slice %arg9[%dma_wait3A_70] : memref<576xi32, #tpu.memory_space<vmem>> -> memref<144xi32, #tpu.memory_space<vmem>>
      %dma_wait3A_72 = arith.constant 0 : i32
      %dma_wait3A_73 = arith.constant 0 : i32
      %dma_wait3A_74 = tpu.memref_slice %arg2[%dma_wait3A_72, %dma_wait3A_73] : memref<4096x256xf32, #tpu.memory_space<hbm>> -> memref<4096x256xf32, #tpu.memory_space<hbm>>
      tpu.wait_indirect_dma semaphore(%arg11 : memref<!tpu.dma_semaphore, #tpu.memory_space<semaphore_mem>>) src(%dma_wait3A_74 : memref<4096x256xf32, #tpu.memory_space<hbm>>) dst(%arg10 : memref<144x256xf32, #tpu.memory_space<vmem>>)
      "tpu.region"() ({
        %run_scoped3A = tpu.sem_alloc : memref<!tpu.dma_semaphore, #tpu.memory_space<semaphore_mem>>
        %dma_start3A_99 = arith.constant 0 : i32
        %dma_start3A_100 = tpu.memref_slice %arg8[%add3A_64, %dma_start3A_99] : memref<4608x256xf32, #tpu.memory_space<hbm>> -> memref<144x256xf32, #tpu.memory_space<hbm>>
        %dma_start3A_101 = arith.constant 0 : i32
        %dma_start3A_102 = tpu.memref_slice %arg8[%add3A_64, %dma_start3A_101] : memref<4608x256xf32, #tpu.memory_space<hbm>> -> memref<144x256xf32, #tpu.memory_space<hbm>>
        tpu.enqueue_dma source(%arg10 : memref<144x256xf32, #tpu.memory_space<vmem>>) target(%dma_start3A_102 : memref<144x256xf32, #tpu.memory_space<hbm>>) target_semaphore(%run_scoped3A : memref<!tpu.dma_semaphore, #tpu.memory_space<semaphore_mem>>)
        %dma_wait3A_103 = arith.constant 0 : i32
        %dma_wait3A_104 = tpu.memref_slice %arg8[%add3A_64, %dma_wait3A_103] : memref<4608x256xf32, #tpu.memory_space<hbm>> -> memref<144x256xf32, #tpu.memory_space<hbm>>
        %dma_wait3A_105 = arith.constant 0 : i32
        %dma_wait3A_106 = tpu.memref_slice %arg8[%add3A_64, %dma_wait3A_105] : memref<4608x256xf32, #tpu.memory_space<hbm>> -> memref<144x256xf32, #tpu.memory_space<hbm>>
        tpu.wait_dma2 semaphore(%run_scoped3A : memref<!tpu.dma_semaphore, #tpu.memory_space<semaphore_mem>>) src(%arg10 : memref<144x256xf32, #tpu.memory_space<vmem>>) dst(%dma_wait3A_106 : memref<144x256xf32, #tpu.memory_space<hbm>>)
        tpu.yield
      }) : () -> ()
      "tpu.region"() ({
        %run_scoped3A = tpu.sem_alloc : memref<!tpu.dma_semaphore, #tpu.memory_space<semaphore_mem>>
        %dma_start3A_99 = arith.constant 768 : i32
        %dma_start3A_100 = tpu.memref_slice %arg4[%add3A_64, %dma_start3A_99] : memref<4608x1024xf32, #tpu.memory_space<hbm>> -> memref<144x256xf32, #tpu.memory_space<hbm>>
        %dma_start3A_101 = arith.constant 768 : i32
        %dma_start3A_102 = tpu.memref_slice %arg4[%add3A_64, %dma_start3A_101] : memref<4608x1024xf32, #tpu.memory_space<hbm>> -> memref<144x256xf32, #tpu.memory_space<hbm>>
        tpu.enqueue_dma source(%arg10 : memref<144x256xf32, #tpu.memory_space<vmem>>) target(%dma_start3A_102 : memref<144x256xf32, #tpu.memory_space<hbm>>) target_semaphore(%run_scoped3A : memref<!tpu.dma_semaphore, #tpu.memory_space<semaphore_mem>>)
        %dma_wait3A_103 = arith.constant 768 : i32
        %dma_wait3A_104 = tpu.memref_slice %arg4[%add3A_64, %dma_wait3A_103] : memref<4608x1024xf32, #tpu.memory_space<hbm>> -> memref<144x256xf32, #tpu.memory_space<hbm>>
        %dma_wait3A_105 = arith.constant 768 : i32
        %dma_wait3A_106 = tpu.memref_slice %arg4[%add3A_64, %dma_wait3A_105] : memref<4608x1024xf32, #tpu.memory_space<hbm>> -> memref<144x256xf32, #tpu.memory_space<hbm>>
        tpu.wait_dma2 semaphore(%run_scoped3A : memref<!tpu.dma_semaphore, #tpu.memory_space<semaphore_mem>>) src(%arg10 : memref<144x256xf32, #tpu.memory_space<vmem>>) dst(%dma_wait3A_106 : memref<144x256xf32, #tpu.memory_space<hbm>>)
        tpu.yield
      }) : () -> ()
      %add3A_75 = arith.constant 288 : i32
      %add3A_76 = arith.addi %mul3A_50, %add3A_75 : i32
      %dma_start3A_77 = arith.constant 288 : i32
      %dma_start3A_78 = tpu.memref_slice %arg9[%dma_start3A_77] : memref<576xi32, #tpu.memory_space<vmem>> -> memref<144xi32, #tpu.memory_space<vmem>>
      %dma_start3A_79 = arith.constant 0 : i32
      %dma_start3A_80 = arith.constant 0 : i32
      %dma_start3A_81 = tpu.memref_slice %arg2[%dma_start3A_79, %dma_start3A_80] : memref<4096x256xf32, #tpu.memory_space<hbm>> -> memref<4096x256xf32, #tpu.memory_space<hbm>>
      tpu.enqueue_indirect_dma source(%dma_start3A_81 : memref<4096x256xf32, #tpu.memory_space<hbm>>) target(%arg10 : memref<144x256xf32, #tpu.memory_space<vmem>>) offsets(%dma_start3A_78 : memref<144xi32, #tpu.memory_space<vmem>>) semaphore(%arg11 : memref<!tpu.dma_semaphore, #tpu.memory_space<semaphore_mem>>)
      %dma_wait3A_82 = arith.constant 288 : i32
      %dma_wait3A_83 = tpu.memref_slice %arg9[%dma_wait3A_82] : memref<576xi32, #tpu.memory_space<vmem>> -> memref<144xi32, #tpu.memory_space<vmem>>
      %dma_wait3A_84 = arith.constant 0 : i32
      %dma_wait3A_85 = arith.constant 0 : i32
      %dma_wait3A_86 = tpu.memref_slice %arg2[%dma_wait3A_84, %dma_wait3A_85] : memref<4096x256xf32, #tpu.memory_space<hbm>> -> memref<4096x256xf32, #tpu.memory_space<hbm>>
      tpu.wait_indirect_dma semaphore(%arg11 : memref<!tpu.dma_semaphore, #tpu.memory_space<semaphore_mem>>) src(%dma_wait3A_86 : memref<4096x256xf32, #tpu.memory_space<hbm>>) dst(%arg10 : memref<144x256xf32, #tpu.memory_space<vmem>>)
      "tpu.region"() ({
        %run_scoped3A = tpu.sem_alloc : memref<!tpu.dma_semaphore, #tpu.memory_space<semaphore_mem>>
        %dma_start3A_99 = arith.constant 0 : i32
        %dma_start3A_100 = tpu.memref_slice %arg8[%add3A_76, %dma_start3A_99] : memref<4608x256xf32, #tpu.memory_space<hbm>> -> memref<144x256xf32, #tpu.memory_space<hbm>>
        %dma_start3A_101 = arith.constant 0 : i32
        %dma_start3A_102 = tpu.memref_slice %arg8[%add3A_76, %dma_start3A_101] : memref<4608x256xf32, #tpu.memory_space<hbm>> -> memref<144x256xf32, #tpu.memory_space<hbm>>
        tpu.enqueue_dma source(%arg10 : memref<144x256xf32, #tpu.memory_space<vmem>>) target(%dma_start3A_102 : memref<144x256xf32, #tpu.memory_space<hbm>>) target_semaphore(%run_scoped3A : memref<!tpu.dma_semaphore, #tpu.memory_space<semaphore_mem>>)
        %dma_wait3A_103 = arith.constant 0 : i32
        %dma_wait3A_104 = tpu.memref_slice %arg8[%add3A_76, %dma_wait3A_103] : memref<4608x256xf32, #tpu.memory_space<hbm>> -> memref<144x256xf32, #tpu.memory_space<hbm>>
        %dma_wait3A_105 = arith.constant 0 : i32
        %dma_wait3A_106 = tpu.memref_slice %arg8[%add3A_76, %dma_wait3A_105] : memref<4608x256xf32, #tpu.memory_space<hbm>> -> memref<144x256xf32, #tpu.memory_space<hbm>>
        tpu.wait_dma2 semaphore(%run_scoped3A : memref<!tpu.dma_semaphore, #tpu.memory_space<semaphore_mem>>) src(%arg10 : memref<144x256xf32, #tpu.memory_space<vmem>>) dst(%dma_wait3A_106 : memref<144x256xf32, #tpu.memory_space<hbm>>)
        tpu.yield
      }) : () -> ()
      "tpu.region"() ({
        %run_scoped3A = tpu.sem_alloc : memref<!tpu.dma_semaphore, #tpu.memory_space<semaphore_mem>>
        %dma_start3A_99 = arith.constant 768 : i32
        %dma_start3A_100 = tpu.memref_slice %arg4[%add3A_76, %dma_start3A_99] : memref<4608x1024xf32, #tpu.memory_space<hbm>> -> memref<144x256xf32, #tpu.memory_space<hbm>>
        %dma_start3A_101 = arith.constant 768 : i32
        %dma_start3A_102 = tpu.memref_slice %arg4[%add3A_76, %dma_start3A_101] : memref<4608x1024xf32, #tpu.memory_space<hbm>> -> memref<144x256xf32, #tpu.memory_space<hbm>>
        tpu.enqueue_dma source(%arg10 : memref<144x256xf32, #tpu.memory_space<vmem>>) target(%dma_start3A_102 : memref<144x256xf32, #tpu.memory_space<hbm>>) target_semaphore(%run_scoped3A : memref<!tpu.dma_semaphore, #tpu.memory_space<semaphore_mem>>)
        %dma_wait3A_103 = arith.constant 768 : i32
        %dma_wait3A_104 = tpu.memref_slice %arg4[%add3A_76, %dma_wait3A_103] : memref<4608x1024xf32, #tpu.memory_space<hbm>> -> memref<144x256xf32, #tpu.memory_space<hbm>>
        %dma_wait3A_105 = arith.constant 768 : i32
        %dma_wait3A_106 = tpu.memref_slice %arg4[%add3A_76, %dma_wait3A_105] : memref<4608x1024xf32, #tpu.memory_space<hbm>> -> memref<144x256xf32, #tpu.memory_space<hbm>>
        tpu.wait_dma2 semaphore(%run_scoped3A : memref<!tpu.dma_semaphore, #tpu.memory_space<semaphore_mem>>) src(%arg10 : memref<144x256xf32, #tpu.memory_space<vmem>>) dst(%dma_wait3A_106 : memref<144x256xf32, #tpu.memory_space<hbm>>)
        tpu.yield
      }) : () -> ()
      %add3A_87 = arith.constant 432 : i32
      %add3A_88 = arith.addi %mul3A_50, %add3A_87 : i32
      %dma_start3A_89 = arith.constant 432 : i32
      %dma_start3A_90 = tpu.memref_slice %arg9[%dma_start3A_89] : memref<576xi32, #tpu.memory_space<vmem>> -> memref<144xi32, #tpu.memory_space<vmem>>
      %dma_start3A_91 = arith.constant 0 : i32
      %dma_start3A_92 = arith.constant 0 : i32
      %dma_start3A_93 = tpu.memref_slice %arg2[%dma_start3A_91, %dma_start3A_92] : memref<4096x256xf32, #tpu.memory_space<hbm>> -> memref<4096x256xf32, #tpu.memory_space<hbm>>
      tpu.enqueue_indirect_dma source(%dma_start3A_93 : memref<4096x256xf32, #tpu.memory_space<hbm>>) target(%arg10 : memref<144x256xf32, #tpu.memory_space<vmem>>) offsets(%dma_start3A_90 : memref<144xi32, #tpu.memory_space<vmem>>) semaphore(%arg11 : memref<!tpu.dma_semaphore, #tpu.memory_space<semaphore_mem>>)
      %dma_wait3A_94 = arith.constant 432 : i32
      %dma_wait3A_95 = tpu.memref_slice %arg9[%dma_wait3A_94] : memref<576xi32, #tpu.memory_space<vmem>> -> memref<144xi32, #tpu.memory_space<vmem>>
      %dma_wait3A_96 = arith.constant 0 : i32
      %dma_wait3A_97 = arith.constant 0 : i32
      %dma_wait3A_98 = tpu.memref_slice %arg2[%dma_wait3A_96, %dma_wait3A_97] : memref<4096x256xf32, #tpu.memory_space<hbm>> -> memref<4096x256xf32, #tpu.memory_space<hbm>>
      tpu.wait_indirect_dma semaphore(%arg11 : memref<!tpu.dma_semaphore, #tpu.memory_space<semaphore_mem>>) src(%dma_wait3A_98 : memref<4096x256xf32, #tpu.memory_space<hbm>>) dst(%arg10 : memref<144x256xf32, #tpu.memory_space<vmem>>)
      "tpu.region"() ({
        %run_scoped3A = tpu.sem_alloc : memref<!tpu.dma_semaphore, #tpu.memory_space<semaphore_mem>>
        %dma_start3A_99 = arith.constant 0 : i32
        %dma_start3A_100 = tpu.memref_slice %arg8[%add3A_88, %dma_start3A_99] : memref<4608x256xf32, #tpu.memory_space<hbm>> -> memref<144x256xf32, #tpu.memory_space<hbm>>
        %dma_start3A_101 = arith.constant 0 : i32
        %dma_start3A_102 = tpu.memref_slice %arg8[%add3A_88, %dma_start3A_101] : memref<4608x256xf32, #tpu.memory_space<hbm>> -> memref<144x256xf32, #tpu.memory_space<hbm>>
        tpu.enqueue_dma source(%arg10 : memref<144x256xf32, #tpu.memory_space<vmem>>) target(%dma_start3A_102 : memref<144x256xf32, #tpu.memory_space<hbm>>) target_semaphore(%run_scoped3A : memref<!tpu.dma_semaphore, #tpu.memory_space<semaphore_mem>>)
        %dma_wait3A_103 = arith.constant 0 : i32
        %dma_wait3A_104 = tpu.memref_slice %arg8[%add3A_88, %dma_wait3A_103] : memref<4608x256xf32, #tpu.memory_space<hbm>> -> memref<144x256xf32, #tpu.memory_space<hbm>>
        %dma_wait3A_105 = arith.constant 0 : i32
        %dma_wait3A_106 = tpu.memref_slice %arg8[%add3A_88, %dma_wait3A_105] : memref<4608x256xf32, #tpu.memory_space<hbm>> -> memref<144x256xf32, #tpu.memory_space<hbm>>
        tpu.wait_dma2 semaphore(%run_scoped3A : memref<!tpu.dma_semaphore, #tpu.memory_space<semaphore_mem>>) src(%arg10 : memref<144x256xf32, #tpu.memory_space<vmem>>) dst(%dma_wait3A_106 : memref<144x256xf32, #tpu.memory_space<hbm>>)
        tpu.yield
      }) : () -> ()
      "tpu.region"() ({
        %run_scoped3A = tpu.sem_alloc : memref<!tpu.dma_semaphore, #tpu.memory_space<semaphore_mem>>
        %dma_start3A_99 = arith.constant 768 : i32
        %dma_start3A_100 = tpu.memref_slice %arg4[%add3A_88, %dma_start3A_99] : memref<4608x1024xf32, #tpu.memory_space<hbm>> -> memref<144x256xf32, #tpu.memory_space<hbm>>
        %dma_start3A_101 = arith.constant 768 : i32
        %dma_start3A_102 = tpu.memref_slice %arg4[%add3A_88, %dma_start3A_101] : memref<4608x1024xf32, #tpu.memory_space<hbm>> -> memref<144x256xf32, #tpu.memory_space<hbm>>
        tpu.enqueue_dma source(%arg10 : memref<144x256xf32, #tpu.memory_space<vmem>>) target(%dma_start3A_102 : memref<144x256xf32, #tpu.memory_space<hbm>>) target_semaphore(%run_scoped3A : memref<!tpu.dma_semaphore, #tpu.memory_space<semaphore_mem>>)
        %dma_wait3A_103 = arith.constant 768 : i32
        %dma_wait3A_104 = tpu.memref_slice %arg4[%add3A_88, %dma_wait3A_103] : memref<4608x1024xf32, #tpu.memory_space<hbm>> -> memref<144x256xf32, #tpu.memory_space<hbm>>
        %dma_wait3A_105 = arith.constant 768 : i32
        %dma_wait3A_106 = tpu.memref_slice %arg4[%add3A_88, %dma_wait3A_105] : memref<4608x1024xf32, #tpu.memory_space<hbm>> -> memref<144x256xf32, #tpu.memory_space<hbm>>
        tpu.wait_dma2 semaphore(%run_scoped3A : memref<!tpu.dma_semaphore, #tpu.memory_space<semaphore_mem>>) src(%arg10 : memref<144x256xf32, #tpu.memory_space<vmem>>) dst(%dma_wait3A_106 : memref<144x256xf32, #tpu.memory_space<hbm>>)
        tpu.yield
      }) : () -> ()
    } else {
    }
    return
  }
}

module attributes {stable_mosaic.version = 14 : i64} {
  func.func @_tc_body(%arg0: i32, %arg1: memref<768x1024xf32, #tpu.memory_space<vmem>>, %arg2: memref<4x256x1024xf32, #tpu.memory_space<vmem>>, %arg3: memref<768x4xi32, #tpu.memory_space<vmem>>, %arg4: memref<768x1024xf32, #tpu.memory_space<vmem>>) attributes {dimension_semantics = [#tpu.dimension_semantics<arbitrary>], iteration_bounds = array<i64: 6>, scalar_prefetch = 0 : i64, scratch_operands = 0 : i64, tpu.core_type = #tpu.core_type<tc>, window_params = [{transform_indices = @transform_0, window_bounds = array<i64: 768, 1024>}, {pipeline_mode = #tpu.pipeline_mode<synchronous>, transform_indices = @transform_1, window_bounds = array<i64: 4, 256, 1024>}, {transform_indices = @transform_2, window_bounds = array<i64: 768, 4>}, {transform_indices = @transform_3, window_bounds = array<i64: 768, 1024>}]} {
    %broadcast_in_dim3A = arith.constant 0.000000e+00 : f32
    %broadcast_in_dim3A_0 = vector.broadcast %broadcast_in_dim3A : f32 to vector<768x1024xf32>
    %iota3A = tpu.iota {dimensions = array<i32: 1>} : vector<768x1024xi32>
    %convert_element_type3A = arith.sitofp %iota3A : vector<768x1024xi32> to vector<768x1024xf32>
    %get3A = arith.constant 0 : index
    %get3A_1 = arith.constant 0 : index
    %get3A_2 = vector.load %arg1[%get3A, %get3A_1] : memref<768x1024xf32, #tpu.memory_space<vmem>>, vector<768x256xf32>
    %get3A_3 = arith.constant 0 : index
    %get3A_4 = arith.constant 0 : index
    %get3A_5 = arith.constant 0 : index
    %get3A_6 = vector.load %arg2[%get3A_3, %get3A_4, %get3A_5] : memref<4x256x1024xf32, #tpu.memory_space<vmem>>, vector<1x256x1024xf32>
    %get3A_7 = vector.shape_cast %get3A_6 : vector<1x256x1024xf32> to vector<256x1024xf32>
    %dot_general3A = arith.constant dense<0.000000e+00> : vector<768x1024xf32>
    %dot_general3A_8 = tpu.matmul %get3A_2, %get3A_7, %dot_general3A {dimension_numbers = #tpu.dot_dimension_numbers<[1], [0], [0], [1], [0, 0, 1, 1], [], []>, transpose_lhs_hint = false} : vector<768x256xf32>, vector<256x1024xf32>, vector<768x1024xf32> -> vector<768x1024xf32>
    %reduce_max3A = arith.constant dense<0xFF800000> : vector<768xf32>
    %reduce_max3A_9 = vector.multi_reduction <maximumf>, %dot_general3A_8, %reduce_max3A [1] : vector<768x1024xf32> to vector<768xf32>
    %broadcast_in_dim3A_10 = vector.shape_cast %reduce_max3A_9 : vector<768xf32> to vector<768x1xf32>
    %sub3A = vector.broadcast %broadcast_in_dim3A_10 : vector<768x1xf32> to vector<768x1024xf32>
    %sub3A_11 = arith.subf %dot_general3A_8, %sub3A : vector<768x1024xf32>
    %exp3A = math.exp %sub3A_11 : vector<768x1024xf32>
    %reduce_sum3A = arith.constant dense<0.000000e+00> : vector<768xf32>
    %reduce_sum3A_12 = vector.multi_reduction <add>, %exp3A, %reduce_sum3A [1] : vector<768x1024xf32> to vector<768xf32>
    %broadcast_in_dim3A_13 = vector.shape_cast %reduce_sum3A_12 : vector<768xf32> to vector<768x1xf32>
    %div3A = arith.constant 2.500000e-01 : f32
    %div3A_14 = vector.broadcast %div3A : f32 to vector<768x1xf32>
    %div3A_15 = arith.divf %div3A_14, %broadcast_in_dim3A_13 : vector<768x1xf32>
    %mul3A = vector.broadcast %div3A_15 : vector<768x1xf32> to vector<768x1024xf32>
    %mul3A_16 = arith.mulf %exp3A, %mul3A : vector<768x1024xf32>
    %add3A = arith.addf %broadcast_in_dim3A_0, %mul3A_16 : vector<768x1024xf32>
    %eq3A = vector.broadcast %broadcast_in_dim3A_10 : vector<768x1xf32> to vector<768x1024xf32>
    %eq3A_17 = arith.cmpf oeq, %dot_general3A_8, %eq3A : vector<768x1024xf32>
    %jit3A = arith.constant 1.024000e+03 : f32
    %broadcast_in_dim3A_18 = vector.broadcast %jit3A : f32 to vector<768x1024xf32>
    %select_n3A = arith.select %eq3A_17, %convert_element_type3A, %broadcast_in_dim3A_18 : vector<768x1024xi1>, vector<768x1024xf32>
    %reduce_min3A = arith.constant dense<0x7F800000> : vector<768xf32>
    %reduce_min3A_19 = vector.multi_reduction <minimumf>, %select_n3A, %reduce_min3A [1] : vector<768x1024xf32> to vector<768xf32>
    %broadcast_in_dim3A_20 = vector.shape_cast %reduce_min3A_19 : vector<768xf32> to vector<768x1xf32>
    %convert_element_type3A_21 = arith.fptosi %broadcast_in_dim3A_20 : vector<768x1xf32> to vector<768x1xi32>
    %get3A_22 = arith.constant 0 : index
    %get3A_23 = arith.constant 256 : index
    %get3A_24 = vector.load %arg1[%get3A_22, %get3A_23] : memref<768x1024xf32, #tpu.memory_space<vmem>>, vector<768x256xf32>
    %get3A_25 = arith.constant 1 : index
    %get3A_26 = arith.constant 0 : index
    %get3A_27 = arith.constant 0 : index
    %get3A_28 = vector.load %arg2[%get3A_25, %get3A_26, %get3A_27] : memref<4x256x1024xf32, #tpu.memory_space<vmem>>, vector<1x256x1024xf32>
    %get3A_29 = vector.shape_cast %get3A_28 : vector<1x256x1024xf32> to vector<256x1024xf32>
    %dot_general3A_30 = arith.constant dense<0.000000e+00> : vector<768x1024xf32>
    %dot_general3A_31 = tpu.matmul %get3A_24, %get3A_29, %dot_general3A_30 {dimension_numbers = #tpu.dot_dimension_numbers<[1], [0], [0], [1], [0, 0, 1, 1], [], []>, transpose_lhs_hint = false} : vector<768x256xf32>, vector<256x1024xf32>, vector<768x1024xf32> -> vector<768x1024xf32>
    %reduce_max3A_32 = arith.constant dense<0xFF800000> : vector<768xf32>
    %reduce_max3A_33 = vector.multi_reduction <maximumf>, %dot_general3A_31, %reduce_max3A_32 [1] : vector<768x1024xf32> to vector<768xf32>
    %broadcast_in_dim3A_34 = vector.shape_cast %reduce_max3A_33 : vector<768xf32> to vector<768x1xf32>
    %sub3A_35 = vector.broadcast %broadcast_in_dim3A_34 : vector<768x1xf32> to vector<768x1024xf32>
    %sub3A_36 = arith.subf %dot_general3A_31, %sub3A_35 : vector<768x1024xf32>
    %exp3A_37 = math.exp %sub3A_36 : vector<768x1024xf32>
    %reduce_sum3A_38 = arith.constant dense<0.000000e+00> : vector<768xf32>
    %reduce_sum3A_39 = vector.multi_reduction <add>, %exp3A_37, %reduce_sum3A_38 [1] : vector<768x1024xf32> to vector<768xf32>
    %broadcast_in_dim3A_40 = vector.shape_cast %reduce_sum3A_39 : vector<768xf32> to vector<768x1xf32>
    %div3A_41 = arith.constant 2.500000e-01 : f32
    %div3A_42 = vector.broadcast %div3A_41 : f32 to vector<768x1xf32>
    %div3A_43 = arith.divf %div3A_42, %broadcast_in_dim3A_40 : vector<768x1xf32>
    %mul3A_44 = vector.broadcast %div3A_43 : vector<768x1xf32> to vector<768x1024xf32>
    %mul3A_45 = arith.mulf %exp3A_37, %mul3A_44 : vector<768x1024xf32>
    %add3A_46 = arith.addf %add3A, %mul3A_45 : vector<768x1024xf32>
    %eq3A_47 = vector.broadcast %broadcast_in_dim3A_34 : vector<768x1xf32> to vector<768x1024xf32>
    %eq3A_48 = arith.cmpf oeq, %dot_general3A_31, %eq3A_47 : vector<768x1024xf32>
    %jit3A_49 = arith.constant 1.024000e+03 : f32
    %broadcast_in_dim3A_50 = vector.broadcast %jit3A_49 : f32 to vector<768x1024xf32>
    %select_n3A_51 = arith.select %eq3A_48, %convert_element_type3A, %broadcast_in_dim3A_50 : vector<768x1024xi1>, vector<768x1024xf32>
    %reduce_min3A_52 = arith.constant dense<0x7F800000> : vector<768xf32>
    %reduce_min3A_53 = vector.multi_reduction <minimumf>, %select_n3A_51, %reduce_min3A_52 [1] : vector<768x1024xf32> to vector<768xf32>
    %broadcast_in_dim3A_54 = vector.shape_cast %reduce_min3A_53 : vector<768xf32> to vector<768x1xf32>
    %convert_element_type3A_55 = arith.fptosi %broadcast_in_dim3A_54 : vector<768x1xf32> to vector<768x1xi32>
    %get3A_56 = arith.constant 0 : index
    %get3A_57 = arith.constant 512 : index
    %get3A_58 = vector.load %arg1[%get3A_56, %get3A_57] : memref<768x1024xf32, #tpu.memory_space<vmem>>, vector<768x256xf32>
    %get3A_59 = arith.constant 2 : index
    %get3A_60 = arith.constant 0 : index
    %get3A_61 = arith.constant 0 : index
    %get3A_62 = vector.load %arg2[%get3A_59, %get3A_60, %get3A_61] : memref<4x256x1024xf32, #tpu.memory_space<vmem>>, vector<1x256x1024xf32>
    %get3A_63 = vector.shape_cast %get3A_62 : vector<1x256x1024xf32> to vector<256x1024xf32>
    %dot_general3A_64 = arith.constant dense<0.000000e+00> : vector<768x1024xf32>
    %dot_general3A_65 = tpu.matmul %get3A_58, %get3A_63, %dot_general3A_64 {dimension_numbers = #tpu.dot_dimension_numbers<[1], [0], [0], [1], [0, 0, 1, 1], [], []>, transpose_lhs_hint = false} : vector<768x256xf32>, vector<256x1024xf32>, vector<768x1024xf32> -> vector<768x1024xf32>
    %reduce_max3A_66 = arith.constant dense<0xFF800000> : vector<768xf32>
    %reduce_max3A_67 = vector.multi_reduction <maximumf>, %dot_general3A_65, %reduce_max3A_66 [1] : vector<768x1024xf32> to vector<768xf32>
    %broadcast_in_dim3A_68 = vector.shape_cast %reduce_max3A_67 : vector<768xf32> to vector<768x1xf32>
    %sub3A_69 = vector.broadcast %broadcast_in_dim3A_68 : vector<768x1xf32> to vector<768x1024xf32>
    %sub3A_70 = arith.subf %dot_general3A_65, %sub3A_69 : vector<768x1024xf32>
    %exp3A_71 = math.exp %sub3A_70 : vector<768x1024xf32>
    %reduce_sum3A_72 = arith.constant dense<0.000000e+00> : vector<768xf32>
    %reduce_sum3A_73 = vector.multi_reduction <add>, %exp3A_71, %reduce_sum3A_72 [1] : vector<768x1024xf32> to vector<768xf32>
    %broadcast_in_dim3A_74 = vector.shape_cast %reduce_sum3A_73 : vector<768xf32> to vector<768x1xf32>
    %div3A_75 = arith.constant 2.500000e-01 : f32
    %div3A_76 = vector.broadcast %div3A_75 : f32 to vector<768x1xf32>
    %div3A_77 = arith.divf %div3A_76, %broadcast_in_dim3A_74 : vector<768x1xf32>
    %mul3A_78 = vector.broadcast %div3A_77 : vector<768x1xf32> to vector<768x1024xf32>
    %mul3A_79 = arith.mulf %exp3A_71, %mul3A_78 : vector<768x1024xf32>
    %add3A_80 = arith.addf %add3A_46, %mul3A_79 : vector<768x1024xf32>
    %eq3A_81 = vector.broadcast %broadcast_in_dim3A_68 : vector<768x1xf32> to vector<768x1024xf32>
    %eq3A_82 = arith.cmpf oeq, %dot_general3A_65, %eq3A_81 : vector<768x1024xf32>
    %jit3A_83 = arith.constant 1.024000e+03 : f32
    %broadcast_in_dim3A_84 = vector.broadcast %jit3A_83 : f32 to vector<768x1024xf32>
    %select_n3A_85 = arith.select %eq3A_82, %convert_element_type3A, %broadcast_in_dim3A_84 : vector<768x1024xi1>, vector<768x1024xf32>
    %reduce_min3A_86 = arith.constant dense<0x7F800000> : vector<768xf32>
    %reduce_min3A_87 = vector.multi_reduction <minimumf>, %select_n3A_85, %reduce_min3A_86 [1] : vector<768x1024xf32> to vector<768xf32>
    %broadcast_in_dim3A_88 = vector.shape_cast %reduce_min3A_87 : vector<768xf32> to vector<768x1xf32>
    %convert_element_type3A_89 = arith.fptosi %broadcast_in_dim3A_88 : vector<768x1xf32> to vector<768x1xi32>
    %get3A_90 = arith.constant 0 : index
    %get3A_91 = arith.constant 768 : index
    %get3A_92 = vector.load %arg1[%get3A_90, %get3A_91] : memref<768x1024xf32, #tpu.memory_space<vmem>>, vector<768x256xf32>
    %get3A_93 = arith.constant 3 : index
    %get3A_94 = arith.constant 0 : index
    %get3A_95 = arith.constant 0 : index
    %get3A_96 = vector.load %arg2[%get3A_93, %get3A_94, %get3A_95] : memref<4x256x1024xf32, #tpu.memory_space<vmem>>, vector<1x256x1024xf32>
    %get3A_97 = vector.shape_cast %get3A_96 : vector<1x256x1024xf32> to vector<256x1024xf32>
    %dot_general3A_98 = arith.constant dense<0.000000e+00> : vector<768x1024xf32>
    %dot_general3A_99 = tpu.matmul %get3A_92, %get3A_97, %dot_general3A_98 {dimension_numbers = #tpu.dot_dimension_numbers<[1], [0], [0], [1], [0, 0, 1, 1], [], []>, transpose_lhs_hint = false} : vector<768x256xf32>, vector<256x1024xf32>, vector<768x1024xf32> -> vector<768x1024xf32>
    %reduce_max3A_100 = arith.constant dense<0xFF800000> : vector<768xf32>
    %reduce_max3A_101 = vector.multi_reduction <maximumf>, %dot_general3A_99, %reduce_max3A_100 [1] : vector<768x1024xf32> to vector<768xf32>
    %broadcast_in_dim3A_102 = vector.shape_cast %reduce_max3A_101 : vector<768xf32> to vector<768x1xf32>
    %sub3A_103 = vector.broadcast %broadcast_in_dim3A_102 : vector<768x1xf32> to vector<768x1024xf32>
    %sub3A_104 = arith.subf %dot_general3A_99, %sub3A_103 : vector<768x1024xf32>
    %exp3A_105 = math.exp %sub3A_104 : vector<768x1024xf32>
    %reduce_sum3A_106 = arith.constant dense<0.000000e+00> : vector<768xf32>
    %reduce_sum3A_107 = vector.multi_reduction <add>, %exp3A_105, %reduce_sum3A_106 [1] : vector<768x1024xf32> to vector<768xf32>
    %broadcast_in_dim3A_108 = vector.shape_cast %reduce_sum3A_107 : vector<768xf32> to vector<768x1xf32>
    %div3A_109 = arith.constant 2.500000e-01 : f32
    %div3A_110 = vector.broadcast %div3A_109 : f32 to vector<768x1xf32>
    %div3A_111 = arith.divf %div3A_110, %broadcast_in_dim3A_108 : vector<768x1xf32>
    %mul3A_112 = vector.broadcast %div3A_111 : vector<768x1xf32> to vector<768x1024xf32>
    %mul3A_113 = arith.mulf %exp3A_105, %mul3A_112 : vector<768x1024xf32>
    %add3A_114 = arith.addf %add3A_80, %mul3A_113 : vector<768x1024xf32>
    %eq3A_115 = vector.broadcast %broadcast_in_dim3A_102 : vector<768x1xf32> to vector<768x1024xf32>
    %eq3A_116 = arith.cmpf oeq, %dot_general3A_99, %eq3A_115 : vector<768x1024xf32>
    %jit3A_117 = arith.constant 1.024000e+03 : f32
    %broadcast_in_dim3A_118 = vector.broadcast %jit3A_117 : f32 to vector<768x1024xf32>
    %select_n3A_119 = arith.select %eq3A_116, %convert_element_type3A, %broadcast_in_dim3A_118 : vector<768x1024xi1>, vector<768x1024xf32>
    %reduce_min3A_120 = arith.constant dense<0x7F800000> : vector<768xf32>
    %reduce_min3A_121 = vector.multi_reduction <minimumf>, %select_n3A_119, %reduce_min3A_120 [1] : vector<768x1024xf32> to vector<768xf32>
    %broadcast_in_dim3A_122 = vector.shape_cast %reduce_min3A_121 : vector<768xf32> to vector<768x1xf32>
    %convert_element_type3A_123 = arith.fptosi %broadcast_in_dim3A_122 : vector<768x1xf32> to vector<768x1xi32>
    %concatenate3A = tpu.concatenate %convert_element_type3A_21, %convert_element_type3A_55, %convert_element_type3A_89, %convert_element_type3A_123 in 1 : vector<768x1xi32>, vector<768x1xi32>, vector<768x1xi32>, vector<768x1xi32> -> vector<768x4xi32>
    %swap3A = arith.constant 0 : index
    %swap3A_124 = arith.constant 0 : index
    %swap3A_125 = vector.load %arg3[%swap3A, %swap3A_124] : memref<768x4xi32, #tpu.memory_space<vmem>>, vector<768x4xi32>
    tpu.vector_store %arg3[%swap3A, %swap3A_124], %concatenate3A {strides = array<i32>} : memref<768x4xi32, #tpu.memory_space<vmem>>, vector<768x4xi32>,
    %swap3A_126 = arith.constant 0 : index
    %swap3A_127 = arith.constant 0 : index
    %swap3A_128 = vector.load %arg4[%swap3A_126, %swap3A_127] : memref<768x1024xf32, #tpu.memory_space<vmem>>, vector<768x1024xf32>
    tpu.vector_store %arg4[%swap3A_126, %swap3A_127], %add3A_114 {strides = array<i32>} : memref<768x1024xf32, #tpu.memory_space<vmem>>, vector<768x1024xf32>,
    return
  }
  func.func @transform_0(%arg0: i32) -> (i32, i32) {
    %c0_i32 = arith.constant 0 : i32
    %c0_i32_0 = arith.constant 0 : i32
    return %arg0, %c0_i32 : i32, i32
  }
  func.func @transform_1(%arg0: i32) -> (i32, i32, i32) {
    %c0_i32 = arith.constant 0 : i32
    %c0_i32_0 = arith.constant 0 : i32
    %c0_i32_1 = arith.constant 0 : i32
    %c0_i32_2 = arith.constant 0 : i32
    return %c0_i32, %c0_i32_0, %c0_i32_1 : i32, i32, i32
  }
  func.func @transform_2(%arg0: i32) -> (i32, i32) {
    %c0_i32 = arith.constant 0 : i32
    %c0_i32_0 = arith.constant 0 : i32
    return %arg0, %c0_i32 : i32, i32
  }
  func.func @transform_3(%arg0: i32) -> (i32, i32) {
    %c0_i32 = arith.constant 0 : i32
    %c0_i32_0 = arith.constant 0 : i32
    return %arg0, %c0_i32 : i32, i32
  }
}

</mosaic_0001>

<sc_bundles>
// kernel: _run.4.cloned.1.call-start
scs
__scs_entry_jumppad:
0x0: {  	(pc) =	sbr.rel $0x88, $3  }
0x1: {  	(tag) =	ssettag $0x0;
	lr =	simm.s32 $0x1  }
0x2: {  	[smem:$0x3F9E] =	sst lr;
	_ =	strace $0xD0000000  }
0x3: {  	_ = 	snop  }
0x4: {  	_ = 	snop  }
0x5: {  	_ = 	snop  }
0x6: {  	_ = 	snop  }
0x7: {  	_ = 	snop  }
__scs_overlays_trampoline_lowered:
0x8: {  	[smem:$0x3FAD] =	sst s0  }
0x9: {  	[smem:$0x3FAE] =	sst s1  }
0xa: {  	[smem:$0x3FAF] =	sst s2  }
0xb: {  	[smem:$0x3FB0] =	sst s3  }
0xc: {  	[smem:$0x3FB1] =	sst s4  }
0xd: {  	[smem:$0x3FB2] =	sst s5  }
0xe: {  	[smem:$0x3FB3] =	sst s6  }
0xf: {  	[smem:$0x3FB4] =	sst s7  }
0x10: {  	[smem:$0x3FB5] =	sst s8  }
0x11: {  	[smem:$0x3FB6] =	sst s9;
	s0 =	simm.s32 @!p0 $0x0  }
0x12: {  	s1 =	sld [smem:$0x3F9C];
	s0 =	simm.s32 @p0 $0x1  }
0x13: {  	[smem:$0x3FB7] =	sst s0;
	s0 =	simm.s32 @!p1 $0x0  }
0x14: {  	s2 =	sld [smem:$0x3F9B];
	s0 =	simm.s32 @p1 $0x1  }
0x15: {  	[smem:$0x3FB8] =	sst s0;
	s0 =	simm.s32 @!p2 $0x0  }
0x16: {  	s3 =	sld [smem:$0x3FDB];
	s0 =	simm.s32 @p2 $0x1  }
0x17: {  	s4 =	simm.s32 $0x1BF5;
	[smem:$0x3FBA] =	sst s0  }
0x18: {  	s0 =	sld [smem:$0x3F9D];
	_ =	swait.ge [sflag:s4], $0x0  }
0x19: {  	s7 =	sld [smem:$0x3F9E]  }
0x1a: {  	s8 =	sadd.s32 $0xFFFFE003, lr  }
0x1b: {  	s9 =	sadd.s32 $0xFFFFFEF7, lr;
	s5 =	simm.s32 $0xFFFFFFFF;
	p2 =	slt.u32 s8, $0xFFFFF086  }
0x1c: {  	p1 =	slt.u32 s9, $0xF7A;
	s5 =	simm.s32 @!p2 $0x0  }
0x1d: {  	s5 =	simm.s32 @p1 $0x1;
	p0 =	seq.s32 s7, s2  }
0x1e: {  	s7 =	smul.u32 @!p0 $0xF7A, s2;
	p2 =	seq.s32 @!p0 s5, $0x0  }
0x1f: {  	s9 =	smul.u32 $0xF7A, s1;
	s8 =	simm.s32 @!p0 $0x1BF5;
	p2 =	por !p2, p0  }
0x20: {  	[sflag:s8] =	ssyncset.s32 @!p0 $0xFFFFF086;
	s6 =	sadd.s32 @!p0 s3, s7;
	s7 =	simm.s32 @!p0 $0x108  }
0x21: {  	s3 =	sadd.s32 s3, s9;
	s6 =	sadd.s32 @!p0 $0x88, s6;
	s7 =	simm.s32 @p2 $0x1082  }
0x22: {  	[simem:s7], [sflag:s8] =	dma.local @!p0 [hbm:s6], $0xF7A  }
0x23: {  	s9 =	sor.u32 $0xD0000000, s2;
	s6 =	simm.s32 $0x108;
	_ =	swait.ge @!p0 [sflag:s8], $0x0  }
0x24: {  	s3 =	sadd.s32 $0x88, s3;
	s6 =	simm.s32 @!p1 $0x1082;
	[sflag:s4] =	ssyncset.s32 $0xFFFFF086  }
0x25: {  	[simem:s6], [sflag:s4] =	dma.local [hbm:s3], $0xF7A  }
0x26: {  	[smem:$0x3F9E] =	sst s1;
	(tag) =	ssettag s2;
	_ =	strace s9  }
0x27: {  	s1 =	sld [smem:$0x3FAE]  }
0x28: {  	s2 =	sld [smem:$0x3FAF]  }
0x29: {  	s4 =	sld [smem:$0x3FB1]  }
0x2a: {  	p0 =	seq.s32 s5, $0x0;
	s5 =	sld [smem:$0x3FB2]  }
0x2b: {  	s6 =	sld [smem:$0x3FB3]  }
0x2c: {  	s7 =	sld [smem:$0x3FB4]  }
0x2d: {  	s3 =	simm.s32 $0x108;
	s8 =	sld [smem:$0x3FB5]  }
0x2e: {  	s3 =	simm.s32 @!p0 $0x1082;
	s9 =	sld [smem:$0x3FB6]  }
0x2f: {  	lr =	sadd.s32 s0, s3;
	s0 =	sld [smem:$0x3FAD]  }
0x30: {  	s3 =	sld [smem:$0x3FB0]  }
0x31: {  	[smem:$0x3FB9] =	sst s10  }
0x32: {  	s10 =	sld [smem:$0x3FB7];
	_ =	sdelay $0x3  }
0x33: {  	p0 =	seq.s32 s10, $0x1;
	s10 =	sld [smem:$0x3FB9];
	_ =	sdelay $0x3  }
0x34: {  	[smem:$0x3FB9] =	sst s10  }
0x35: {  	s10 =	sld [smem:$0x3FB8];
	_ =	sdelay $0x3  }
0x36: {  	p1 =	seq.s32 s10, $0x1;
	s10 =	sld [smem:$0x3FB9];
	_ =	sdelay $0x3  }
0x37: {  	[smem:$0x3FB9] =	sst s10  }
0x38: {  	s10 =	sld [smem:$0x3FBA]  }
0x39: {  	_ = 	snop;
	(pc) =	sbr.ind lr, $3  }
0x3a: {  	_ = 	snop  }
0x3b: {  	_ = 	snop  }
0x3c: {  	p2 =	seq.s32 s10, $0x1;
	s10 =	sld [smem:$0x3FB9]  }
0x3d: {  	_ =	shalt  }
0x3e: {  	_ =	shalt  }
0x3f: {  	_ =	shalt  }
0x40: {  	_ =	shalt  }
0x41: {  	_ =	shalt  }
0x42: {  	_ =	shalt  }
0x43: {  	_ =	shalt  }
0x44: {  	_ =	shalt  }
0x45: {  	_ =	shalt  }
0x46: {  	_ =	shalt  }
0x47: {  	_ =	shalt  }
0x48: {  	_ =	shalt  }
0x49: {  	_ =	shalt  }
0x4a: {  	_ =	shalt  }
0x4b: {  	_ =	shalt  }
0x4c: {  	_ =	shalt  }
0x4d: {  	_ =	shalt  }
0x4e: {  	_ =	shalt  }
0x4f: {  	_ =	shalt  }
0x50: {  	_ =	shalt  }
0x51: {  	_ =	shalt  }
0x52: {  	_ =	shalt  }
0x53: {  	_ =	shalt  }
0x54: {  	_ =	shalt  }
0x55: {  	_ =	shalt  }
0x56: {  	_ =	shalt  }
0x57: {  	_ =	shalt  }
0x58: {  	_ =	shalt  }
0x59: {  	_ =	shalt  }
0x5a: {  	_ =	shalt  }
0x5b: {  	_ =	shalt  }
0x5c: {  	_ =	shalt  }
0x5d: {  	_ =	shalt  }
0x5e: {  	_ =	shalt  }
0x5f: {  	_ =	shalt  }
0x60: {  	_ =	shalt  }
0x61: {  	_ =	shalt  }
0x62: {  	_ =	shalt  }
0x63: {  	_ =	shalt  }
0x64: {  	_ =	shalt  }
0x65: {  	_ =	shalt  }
0x66: {  	_ =	shalt  }
0x67: {  	_ =	shalt  }
0x68: {  	_ =	shalt  }
0x69: {  	_ =	shalt  }
0x6a: {  	_ =	shalt  }
0x6b: {  	_ =	shalt  }
0x6c: {  	_ =	shalt  }
0x6d: {  	_ =	shalt  }
0x6e: {  	_ =	shalt  }
0x6f: {  	_ =	shalt  }
0x70: {  	_ =	shalt  }
0x71: {  	_ =	shalt  }
0x72: {  	_ =	shalt  }
0x73: {  	_ =	shalt  }
0x74: {  	_ =	shalt  }
0x75: {  	_ =	shalt  }
0x76: {  	_ =	shalt  }
0x77: {  	_ =	shalt  }
0x78: {  	_ =	shalt  }
0x79: {  	_ =	shalt  }
0x7a: {  	_ =	shalt  }
0x7b: {  	_ =	shalt  }
0x7c: {  	_ =	shalt  }
0x7d: {  	_ =	shalt  }
0x7e: {  	_ =	shalt  }
0x7f: {  	_ =	shalt  }
0x80: {  	_ =	shalt  }
0x81: {  	_ =	shalt  }
0x82: {  	_ =	shalt  }
0x83: {  	_ =	shalt  }
0x84: {  	_ =	shalt  }
0x85: {  	_ =	shalt  }
0x86: {  	_ =	shalt  }
0x87: {  	_ =	shalt  }
.Lfunc_end0:
.L_simem_size_0:
called_computation_lowered:
.L_overlay_start_0:
0x88: {  	s2 =	sld [smem:$0x3FD9]  }
0x89: {  	s3 =	sld [smem:$0x3FFE];
	_ =	sdelay $0x1  }
0x8a: {  	s1 =	srdreg.scid  }
0x8b: {  	s0 =	sand.u32 $0x1, s1  }
0x8c: {  	s14 =	sshll.u32 s0, $0xA;
	s2 =	sadd.s32 s3, s2  }
0x8d: {  	s2 =	sadd.s32 s2, s14  }
0x8e: {  	[smem:$0x3FC5] =	sst s2  }
0x8f: {  	_ = 	snop  }
0x90: {  	s2 =	sld [smem:$0x3FD0];
	_ =	sdelay $0x2  }
0x91: {  	s4 =	simm.s32 $0xA;
	s5 =	simm.s32 $0x10;
	s15 =	sld [smem:$0x3FC7]  }
0x92: {  	[smem:s5], [sflag:s4] =	dma.local [hbm:s2], $0x1  }
0x93: {  	_ =	swait.eq [sflag:s4], $0x1  }
0x94: {  	s16 =	sld [smem:$0x12]  }
0x95: {  	s17 =	sld [smem:$0x13]  }
0x96: {  	s6 =	sld [smem:$0x14];
	[sflag:s4] =	ssyncset.done $0x0  }
0x97: {  	s7 =	sld [smem:$0x15];
	[sflag:s4] =	ssyncadd.s32 $0xFFFFFFFF  }
0x98: {  	s18 =	sld [smem:$0x16];
	(tm) =	ssettm $0x1  }
0x99: {  	s8 =	sld [smem:$0x3FFB];
	_ =	sdelay $0x3  }
0x9a: {  	_ =	strace s8  }
0x9b: {  	s8 =	sld [smem:$0x3FFC];
	_ =	sdelay $0x3  }
0x9c: {  	_ =	strace s8  }
0x9d: {  	s8 =	sld [smem:$0x3FFD];
	_ =	sdelay $0x3  }
0x9e: {  	_ =	strace s8  }
0x9f: {  	_ =	strace $0x8FFFFFFF  }
0xa0: {  	s19 =	sld [smem:$0x3FDB];
	_ =	sdelay $0x1  }
0xa1: {  	s9 =	simm.s32 $_scs_section_size  }
0xa2: {  	s10 =	simm.s32 $_size__tile_overlayer_lowered;
	s11 =	simm.s32 $_tile_overlayer_lowered  }
0xa3: {  	s22 =	simm.s32 $0x1BFF;
	s21 =	sshll.u32 s11, $0x1;
	s8 =	sadd.s32 s9, s19  }
0xa4: {  	s12 =	simm.s32 $0x0;
	s20 =	sshll.u32 s10, $0x1;
	s10 =	sadd.s32 s21, s8  }
0xa5: {  	[timem:s12], [sflag:s22] =	dma.local [hbm:s10], s20  }
0xa6: {  	_ =	swait.ge [sflag:s22], s20  }
0xa7: {  	s9 =	ssub.s32 $0x0, s20;
	[sflag:s22] =	ssyncset.done $0x0  }
0xa8: {  	[sflag:s22] =	ssyncadd.s32 s9;
	_ =	sdelay $0x1  }
0xa9: {  	s23 =	simm.s32 $0x1B8B  }
0xaa: {  	_ =	swait.ge [sflag:s23], $0x1  }
0xab: {  	[sflag:s23] =	ssyncset.done $0x0  }
0xac: {  	s25 =	simm.s32 $0x1B8E;
	s24 =	sld [smem:$0x3FFE];
	[sflag:s23] =	ssyncadd.s32 $0xFFFFFFFF  }
0xad: {  	s26 =	simm.s32 $execute0_lowered;
	[smem:$0x3FD2] =	sst s25  }
0xae: {  	s10 =	sshll.u32 s26, $0x1;
	_ =	strace $0x80000046;
	[dreg:$0x1] =	wrdreg $0xFFFFFFFF  }
0xaf: {  	s28 =	simm.s32 $_size_execute0_lowered;
	s8 =	sadd.s32 s8, s10;
	[dreg:$0x0] =	wrdreg $0x0  }
0xb0: {  	s10 =	sshll.u32 s28, $0x1;
	[dreg:$0x2] =	wrdreg s8  }
0xb1: {  	[dreg:$0x3] =	wrdreg s10  }
0xb2: {  	[dreg:$0x4] =	wrdreg $0xC0  }
0xb3: {  	_ =	task [dreg:s12], $0x5FFFF  }
0xb4: {  	[dreg:$0x1] =	wrdreg $0xFFFFFFFF  }
0xb5: {  	[dreg:$0x0] =	wrdreg $0x60  }
0xb6: {  	[dreg:$0x2] =	wrdreg s15  }
0xb7: {  	[dreg:$0x3] =	wrdreg s24  }
0xb8: {  	[dreg:$0x4] =	wrdreg s16  }
0xb9: {  	[dreg:$0x5] =	wrdreg s17  }
0xba: {  	[dreg:$0x6] =	wrdreg s6  }
0xbb: {  	[dreg:$0x7] =	wrdreg s7  }
0xbc: {  	[dreg:$0x8] =	wrdreg s18  }
0xbd: {  	[dreg:$0x9] =	wrdreg $0x9  }
0xbe: {  	_ =	task.clear_ibuf [dreg:s12], $0xAFFFF;
	_ =	strace $0x90000046  }
0xbf: {  	s29 =	simm.s32 $0x9;
	_ =	strace $0x80000048  }
0xc0: {  	_ =	swait.ge [sflag:s29], $0x1  }
0xc1: {  	[sflag:s29] =	ssyncadd.s32 $0xFFFFFFFF  }
0xc2: {  	_ =	strace $0x90000048  }
0xc3: {  	_ =	sfence  }
0xc4: {  	s30 =	sld [smem:$0x0];
	_ =	sdelay $0x2  }
0xc5: {  	s31 =	sshll.u32 s1, $0xD;
	s1 =	sshrl.u32 s1, $0x2  }
0xc6: {  	s3 =	sand.u32 $0x4000, s31;
	s1 =	sadd.s32 s1, s30  }
0xc7: {  	s0 =	sor.u32 s3, s0;
	s1 =	sshll.u32 s1, $0x11  }
0xc8: {  	s0 =	sor.u32 s1, s0  }
0xc9: {  	s0 =	sadd.s32 $0x8F2B, s0  }
0xca: {  	[sflag:s0] =	ssyncadd.remote.s32 $0x1  }
0xcb: {  	_ =	sfence.sel $0xFFFF  }
0xcc: {  	[dreg:$0x0] =	wrdreg $0xFFFFFFFF;
	(pc) =	sbr.abs _section_cstart, $3  }
0xcd: {  	[dreg:$0x1] =	wrdreg $0xFFFFFFFF  }
0xce: {  	_ =	task.clear_ibuf [dreg:s12], $0x2FFFF;
	_ =	strace $0x9FFFFFFF  }
0xcf: {  	(tm) =	ssettm $0x7FFFFFFF  }
tec
execute0_lowered:
.L_overlay_start_1:
0x0: {  	(tag) =	ssettag $0x1  }
0x1: {  	s1 =	rddreg [dreg:$0x0]  }
0x2: {  	s8 =	rddreg [dreg:$0x1]  }
0x3: {  	s7 =	rddreg [dreg:$0x2]  }
0x4: {  	s0 =	rddreg [dreg:$0x3]  }
0x5: {  	s9 =	rddreg [dreg:$0x4]  }
0x6: {  	s6 =	stileid.u32;
	s11 =	rddreg [dreg:$0x5]  }
0x7: {  	s2 =	srdreg.scid;
	s5 =	rddreg [dreg:$0x6]  }
0x8: {  	s29 =	simm.s32 $0x6A80;
	s30 =	simm.s32 $0x7280;
	s3 =	sshll.u32 s6, $0x1  }
0x9: {  	s31 =	simm.s32 $0x7A80;
	s2 =	sand.u32 $0x1, s2;
	s3 =	sand.u32 $0x6, s3  }
0xa: {  	s26 =	sadd.s32 $0x300, s7;
	s4 =	ssub.s32 $0x2, s2;
	s10 =	sor.u32 s2, s3  }
0xb: {  	s24 =	sadd.s32 $0x200, s7;
	s25 =	sshrl.u32 s4, $0x1;
	s2 =	smul.u32 $0x240, s10  }
0xc: {  	s12 =	ssub.s32 s4, s25;
	s3 =	smul.u32 $0x12000, s10;
	s4 =	sshrl.u32 s6, $0x2  }
0xd: {  	s10 =	smul.u32 $0x4800, s10;
	p0 =	sgt.s32 s4, $0x1;
	s13 =	sadd.s32 $0x90, s2  }
0xe: {  	s14 =	sadd.s32 $0x3600, s2;
	s15 =	sadd.s32 s3, s26;
	s18 =	sadd.s32 $0x120, s2  }
0xf: {  	s19 =	sadd.s32 $0x1B0, s2;
	p1 =	seq.s32 @p0 s4, $0x2;
	s23 =	sadd.s32 $0x2400, s2  }
0x10: {  	s16 =	sshll.u32 s13, $0x7;
	s20 =	sshll.u32 s18, $0x7;
	s21 =	sshll.u32 s19, $0x7  }
0x11: {  	p1 =	por !p1, !p0;
	s13 =	sshll.u32 s13, $0x5;
	s17 =	sadd.s32 s16, s26  }
0x12: {  	s22 =	sadd.s32 s20, s26;
	s6 =	sadd.s32 s21, s26;
	s23 =	smov.u32 @p1 s14  }
0x13: {  	s14 =	sadd.s32 s3, s24;
	s11 =	smov.u32 @p1 s5;
	s25 =	sadd.s32 s16, s24  }
0x14: {  	s5 =	sadd.s32 $0x100, s7;
	s14 =	smov.u32 @p1 s15;
	s15 =	sadd.s32 s20, s24  }
0x15: {  	s24 =	sadd.s32 s21, s24;
	s25 =	smov.u32 @p1 s17;
	s17 =	sadd.s32 s3, s5  }
0x16: {  	s26 =	sadd.s32 s20, s5;
	s28 =	sadd.s32 s21, s5;
	s3 =	sadd.s32 s7, s3  }
0x17: {  	s15 =	smov.u32 @p1 s22;
	s24 =	smov.u32 @p1 s6;
	p1 =	seq.s32 @!p0 s4, $0x0  }
0x18: {  	s4 =	sadd.s32 $0x1200, s2;
	s22 =	sadd.s32 s16, s5;
	s5 =	sadd.s32 s7, s20  }
0x19: {  	s6 =	simm.s32 $0x0;
	s20 =	sadd.s32 $0xC00, s8;
	p1 =	por !p1, p0  }
0x1a: {  	s8 =	smax.u32 s12, $0x1;
	[smem:$0x7FF] =	sst s6;
	s2 =	smov.u32 @p1 s4  }
0x1b: {  	s4 =	sadd.s32 s7, s16;
	s7 =	sadd.s32 s7, s21;
	s0 =	smov.u32 @p1 s9  }
0x1c: {  	_ =	strace $0x80000047;
	s3 =	smov.u32 @p1 s17;
	s21 =	sshll.u32 s18, $0x5  }
0x1d: {  	s5 =	smov.u32 @p1 s26;
	s16 =	simm.s32 $0xA80;
	s17 =	simm.s32 $0x1280  }
0x1e: {  	s18 =	simm.s32 $0x1A80;
	s9 =	simm.s32 $0x1;
	s4 =	smov.u32 @p1 s22  }
0x1f: {  	s7 =	smov.u32 @p1 s28;
	s22 =	sshll.u32 s19, $0x5;
	s2 =	smov.u32 @p0 s23  }
0x20: {  	s0 =	smov.u32 @p0 s11;
	s3 =	smov.u32 @p0 s14;
	s5 =	smov.u32 @p0 s15  }
0x21: {  	s14 =	simm.s32 $0x2;
	s15 =	simm.s32 $0x280;
	s19 =	simm.s32 $0x2280  }
0x22: {  	s23 =	simm.s32 $0x4280;
	s28 =	simm.s32 $0x6280;
	s4 =	smov.u32 @p0 s25  }
0x23: {  	s7 =	smov.u32 @p0 s24;
	s11 =	sadd.s32 s0, s22;
	s25 =	sadd.s32 s0, s21  }
0x24: {  	s26 =	sadd.s32 s0, s13;
	s2 =	sshrl.u32 s2, $0x3;
	[dreg:$0x8] =	wrdreg s11  }
0x25: {  	s0 =	sadd.s32 s0, s10;
	s21 =	simm.s32 $0x3280;
	[dreg:$0x9] =	wrdreg s25  }
0x26: {  	s22 =	simm.s32 $0x3A80;
	s24 =	simm.s32 $0x4A80;
	[dreg:$0xa] =	wrdreg s26  }
0x27: {  	v2 =	vlaneseq.u32;
	s10 =	simm.s32 $0x800;
	[dreg:$0xb] =	wrdreg s0;
	s13 =	sadd.s32 s20, s2  }
0x28: {  	vm0 =	vmmov $0xffff;
	v1 =	vshrl.u32 v2, $0x3;
	s20 =	simm.s32 $0x2A80;
	s25 =	simm.s32 $0x5280;
	s26 =	simm.s32 $0x5A80  }
0x29: {  	v0 =	vand.u32 $0x7, v2;
	v2 =	vor.u32 $0x8, v2;
	v1 =	vmul.u32 $0x8, v1;
	s2 =	simm.s32 $0x8280;
	s0 =	simm.s32 $0x8A80;
	s11 =	simm.s32 $0x2000  }
.LBB2_1:
0x2a: {  	[tilespmem:s6], [sflag:$0x2] =	stream.linear.gather [hbm4b:s13+s6], $0x240, $0x38;
	[tilespmem:$0x9280] =	vst v63  }
0x2b: {  	_ =	swait.ge [sflag:s14], $0x240  }
0x2c: {  	[sflag:s14] =	ssyncset.done $0x0  }
0x2d: {  	[sflag:s14] =	ssyncadd.s32 $0xFFFFFDC0  }
0x2e: {  	v3 =	vld [tilespmem:$0x0];
	_ =	sdelay $0x4  }
0x2f: {  	v4 =	vshll.u32 v3, $0x1  }
0x30: {  	v3 =	vand.u32 $0x7, v3;
	v4 =	vand.u32 $0xFFFFFFF0, v4  }
0x31: {  	v3 =	vor.u32 v3, v4  }
0x32: {  	v4 =	vperm.xlane v3, v0;
	_ =	sdelay $0x1  }
0x33: {  	v3 =	vperm.xlane v3, v2;
	v4 =	vadd.s32 v1, v4;
	_ =	sdelay $0x1  }
0x34: {  	v3 =	vadd.s32 v1, v3;
	_ =	sdelay $0x2  }
0x35: {  	[tilespmem:s15], [sflag:$0x1] =	stream.indirect_vreg.gather [hbm4b:s1+s6], $0x80, v4, vm0, $0xb8;
	[tilespmem:$0x9280] =	vst v63  }
0x36: {  	_ = 	snop  }
0x37: {  	[tilespmem:s16], [sflag:$0x1] =	stream.indirect_vreg.gather [hbm4b:s1+s6], $0x80, v3, vm0, $0xb8;
	[tilespmem:$0x9280] =	vst v63  }
0x38: {  	v3 =	vld [tilespmem:$0x10];
	_ =	sdelay $0x4  }
0x39: {  	v29 =	vshll.u32 v3, $0x1  }
0x3a: {  	v3 =	vand.u32 $0x7, v3;
	v4 =	vand.u32 $0xFFFFFFF0, v29  }
0x3b: {  	v3 =	vor.u32 v3, v4  }
0x3c: {  	v4 =	vperm.xlane v3, v0;
	_ =	sdelay $0x1  }
0x3d: {  	v3 =	vperm.xlane v3, v2;
	v4 =	vadd.s32 v1, v4;
	_ =	sdelay $0x1  }
0x3e: {  	v3 =	vadd.s32 v1, v3;
	_ =	sdelay $0x2  }
0x3f: {  	[tilespmem:s17], [sflag:$0x1] =	stream.indirect_vreg.gather [hbm4b:s1+s6], $0x80, v4, vm0, $0xb8;
	[tilespmem:$0x9280] =	vst v63  }
0x40: {  	_ = 	snop  }
0x41: {  	[tilespmem:s18], [sflag:$0x1] =	stream.indirect_vreg.gather [hbm4b:s1+s6], $0x80, v3, vm0, $0xb8;
	[tilespmem:$0x9280] =	vst v63  }
0x42: {  	v3 =	vld [tilespmem:$0x20];
	_ =	sdelay $0x4  }
0x43: {  	v30 =	vshll.u32 v3, $0x1  }
0x44: {  	v3 =	vand.u32 $0x7, v3;
	v4 =	vand.u32 $0xFFFFFFF0, v30  }
0x45: {  	v3 =	vor.u32 v3, v4  }
0x46: {  	v4 =	vperm.xlane v3, v0;
	_ =	sdelay $0x1  }
0x47: {  	v3 =	vperm.xlane v3, v2;
	v4 =	vadd.s32 v1, v4;
	_ =	sdelay $0x1  }
0x48: {  	v3 =	vadd.s32 v1, v3;
	_ =	sdelay $0x2  }
0x49: {  	[tilespmem:s19], [sflag:$0x1] =	stream.indirect_vreg.gather [hbm4b:s1+s6], $0x80, v4, vm0, $0xb8;
	[tilespmem:$0x9280] =	vst v63  }
0x4a: {  	_ = 	snop  }
0x4b: {  	[tilespmem:s20], [sflag:$0x1] =	stream.indirect_vreg.gather [hbm4b:s1+s6], $0x80, v3, vm0, $0xb8;
	[tilespmem:$0x9280] =	vst v63  }
0x4c: {  	v3 =	vld [tilespmem:$0x30];
	_ =	sdelay $0x4  }
0x4d: {  	v31 =	vshll.u32 v3, $0x1  }
0x4e: {  	v3 =	vand.u32 $0x7, v3;
	v4 =	vand.u32 $0xFFFFFFF0, v31  }
0x4f: {  	v3 =	vor.u32 v3, v4  }
0x50: {  	v4 =	vperm.xlane v3, v0;
	_ =	sdelay $0x1  }
0x51: {  	v3 =	vperm.xlane v3, v2;
	v4 =	vadd.s32 v1, v4;
	_ =	sdelay $0x1  }
0x52: {  	v3 =	vadd.s32 v1, v3;
	_ =	sdelay $0x2  }
0x53: {  	[tilespmem:s21], [sflag:$0x1] =	stream.indirect_vreg.gather [hbm4b:s1+s6], $0x80, v4, vm0, $0xb8;
	[tilespmem:$0x9280] =	vst v63  }
0x54: {  	_ = 	snop  }
0x55: {  	[tilespmem:s22], [sflag:$0x1] =	stream.indirect_vreg.gather [hbm4b:s1+s6], $0x80, v3, vm0, $0xb8;
	[tilespmem:$0x9280] =	vst v63  }
0x56: {  	v3 =	vld [tilespmem:$0x40];
	_ =	sdelay $0x4  }
0x57: {  	v32 =	vshll.u32 v3, $0x1  }
0x58: {  	v3 =	vand.u32 $0x7, v3;
	v4 =	vand.u32 $0xFFFFFFF0, v32  }
0x59: {  	v3 =	vor.u32 v3, v4  }
0x5a: {  	v4 =	vperm.xlane v3, v0;
	_ =	sdelay $0x1  }
0x5b: {  	v3 =	vperm.xlane v3, v2;
	v4 =	vadd.s32 v1, v4;
	_ =	sdelay $0x1  }
0x5c: {  	v3 =	vadd.s32 v1, v3;
	_ =	sdelay $0x2  }
0x5d: {  	[tilespmem:s23], [sflag:$0x1] =	stream.indirect_vreg.gather [hbm4b:s1+s6], $0x80, v4, vm0, $0xb8;
	[tilespmem:$0x9280] =	vst v63  }
0x5e: {  	_ = 	snop  }
0x5f: {  	[tilespmem:s24], [sflag:$0x1] =	stream.indirect_vreg.gather [hbm4b:s1+s6], $0x80, v3, vm0, $0xb8;
	[tilespmem:$0x9280] =	vst v63  }
0x60: {  	v3 =	vld [tilespmem:$0x50];
	_ =	sdelay $0x4  }
0x61: {  	v33 =	vshll.u32 v3, $0x1  }
0x62: {  	v3 =	vand.u32 $0x7, v3;
	v4 =	vand.u32 $0xFFFFFFF0, v33  }
0x63: {  	v3 =	vor.u32 v3, v4  }
0x64: {  	v4 =	vperm.xlane v3, v0;
	_ =	sdelay $0x1  }
0x65: {  	v3 =	vperm.xlane v3, v2;
	v4 =	vadd.s32 v1, v4;
	_ =	sdelay $0x1  }
0x66: {  	v3 =	vadd.s32 v1, v3;
	_ =	sdelay $0x2  }
0x67: {  	[tilespmem:s25], [sflag:$0x1] =	stream.indirect_vreg.gather [hbm4b:s1+s6], $0x80, v4, vm0, $0xb8;
	[tilespmem:$0x9280] =	vst v63  }
0x68: {  	_ = 	snop  }
0x69: {  	[tilespmem:s26], [sflag:$0x1] =	stream.indirect_vreg.gather [hbm4b:s1+s6], $0x80, v3, vm0, $0xb8;
	[tilespmem:$0x9280] =	vst v63  }
0x6a: {  	v3 =	vld [tilespmem:$0x60];
	_ =	sdelay $0x4  }
0x6b: {  	v34 =	vshll.u32 v3, $0x1  }
0x6c: {  	v3 =	vand.u32 $0x7, v3;
	v4 =	vand.u32 $0xFFFFFFF0, v34  }
0x6d: {  	v3 =	vor.u32 v3, v4  }
0x6e: {  	v4 =	vperm.xlane v3, v0;
	_ =	sdelay $0x1  }
0x6f: {  	v3 =	vperm.xlane v3, v2;
	v4 =	vadd.s32 v1, v4;
	_ =	sdelay $0x1  }
0x70: {  	v3 =	vadd.s32 v1, v3;
	_ =	sdelay $0x2  }
0x71: {  	[tilespmem:s28], [sflag:$0x1] =	stream.indirect_vreg.gather [hbm4b:s1+s6], $0x80, v4, vm0, $0xb8;
	[tilespmem:$0x9280] =	vst v63  }
0x72: {  	_ = 	snop  }
0x73: {  	[tilespmem:s29], [sflag:$0x1] =	stream.indirect_vreg.gather [hbm4b:s1+s6], $0x80, v3, vm0, $0xb8;
	[tilespmem:$0x9280] =	vst v63  }
0x74: {  	v3 =	vld [tilespmem:$0x70];
	_ =	sdelay $0x4  }
0x75: {  	v35 =	vshll.u32 v3, $0x1  }
0x76: {  	v3 =	vand.u32 $0x7, v3;
	v4 =	vand.u32 $0xFFFFFFF0, v35  }
0x77: {  	v3 =	vor.u32 v3, v4  }
0x78: {  	v4 =	vperm.xlane v3, v0;
	_ =	sdelay $0x1  }
0x79: {  	v3 =	vperm.xlane v3, v2;
	v4 =	vadd.s32 v1, v4;
	_ =	sdelay $0x1  }
0x7a: {  	v3 =	vadd.s32 v1, v3;
	_ =	sdelay $0x2  }
0x7b: {  	[tilespmem:s30], [sflag:$0x1] =	stream.indirect_vreg.gather [hbm4b:s1+s6], $0x80, v4, vm0, $0xb8;
	[tilespmem:$0x9280] =	vst v63  }
0x7c: {  	_ = 	snop  }
0x7d: {  	[tilespmem:s31], [sflag:$0x1] =	stream.indirect_vreg.gather [hbm4b:s1+s6], $0x80, v3, vm0, $0xb8;
	[tilespmem:$0x9280] =	vst v63  }
0x7e: {  	v3 =	vld [tilespmem:$0x80];
	_ =	sdelay $0x4  }
0x7f: {  	v36 =	vshll.u32 v3, $0x1  }
0x80: {  	v3 =	vand.u32 $0x7, v3;
	v4 =	vand.u32 $0xFFFFFFF0, v36  }
0x81: {  	v3 =	vor.u32 v3, v4  }
0x82: {  	v4 =	vperm.xlane v3, v0;
	_ =	sdelay $0x1  }
0x83: {  	v3 =	vperm.xlane v3, v2;
	v4 =	vadd.s32 v1, v4;
	_ =	sdelay $0x1  }
0x84: {  	v3 =	vadd.s32 v1, v3;
	_ =	sdelay $0x2  }
0x85: {  	[tilespmem:s2], [sflag:$0x1] =	stream.indirect_vreg.gather [hbm4b:s1+s6], $0x80, v4, vm0, $0xb8;
	[tilespmem:$0x9280] =	vst v63  }
0x86: {  	_ = 	snop  }
0x87: {  	[tilespmem:s0], [sflag:$0x1] =	stream.indirect_vreg.gather [hbm4b:s1+s6], $0x80, v3, vm0, $0xb8;
	[tilespmem:$0x9280] =	vst v63  }
0x88: {  	_ =	swait.ge [sflag:s9], $0x9000  }
0x89: {  	[sflag:s9] =	ssyncset.done $0x0  }
0x8a: {  	s12 =	rddreg [dreg:$0xb];
	[sflag:s9] =	ssyncadd.s32 $0xFFFF7000  }
0x8b: {  	[hbm4b:s12+s6] =	stream.linear.scatter [tilespmem:s15], [sflag:$0x2], $0x9000, $0x38;
	[tilespmem:$0x9280] =	vst v63  }
0x8c: {  	_ =	swait.ge [sflag:s14], $0x9000  }
0x8d: {  	[sflag:s14] =	ssyncset.done $0x0  }
0x8e: {  	[sflag:s14] =	ssyncadd.s32 $0xFFFF7000  }
0x8f: {  	[hbm4b:s3+s10] =	stream.strided.scatter [tilespmem:s15], [sflag:$0x2], $0x9000, s11, s10, $0x38;
	[tilespmem:$0x9280] =	vst v63  }
0x90: {  	_ =	swait.ge [sflag:s14], $0x9000  }
0x91: {  	[sflag:s14] =	ssyncset.done $0x0  }
0x92: {  	[sflag:s14] =	ssyncadd.s32 $0xFFFF7000  }
0x93: {  	v3 =	vld [tilespmem:$0x90];
	_ =	sdelay $0x4  }
0x94: {  	v37 =	vshll.u32 v3, $0x1  }
0x95: {  	v3 =	vand.u32 $0x7, v3;
	v4 =	vand.u32 $0xFFFFFFF0, v37  }
0x96: {  	v3 =	vor.u32 v3, v4  }
0x97: {  	v4 =	vperm.xlane v3, v0;
	_ =	sdelay $0x1  }
0x98: {  	v3 =	vperm.xlane v3, v2;
	v4 =	vadd.s32 v1, v4;
	_ =	sdelay $0x1  }
0x99: {  	v3 =	vadd.s32 v1, v3;
	_ =	sdelay $0x2  }
0x9a: {  	[tilespmem:s15], [sflag:$0x1] =	stream.indirect_vreg.gather [hbm4b:s1+s6], $0x80, v4, vm0, $0xb8;
	[tilespmem:$0x9280] =	vst v63  }
0x9b: {  	_ = 	snop  }
0x9c: {  	[tilespmem:s16], [sflag:$0x1] =	stream.indirect_vreg.gather [hbm4b:s1+s6], $0x80, v3, vm0, $0xb8;
	[tilespmem:$0x9280] =	vst v63  }
0x9d: {  	v3 =	vld [tilespmem:$0xA0];
	_ =	sdelay $0x4  }
0x9e: {  	v38 =	vshll.u32 v3, $0x1  }
0x9f: {  	v3 =	vand.u32 $0x7, v3;
	v4 =	vand.u32 $0xFFFFFFF0, v38  }
0xa0: {  	v3 =	vor.u32 v3, v4  }
0xa1: {  	v4 =	vperm.xlane v3, v0;
	_ =	sdelay $0x1  }
0xa2: {  	v3 =	vperm.xlane v3, v2;
	v4 =	vadd.s32 v1, v4;
	_ =	sdelay $0x1  }
0xa3: {  	v3 =	vadd.s32 v1, v3;
	_ =	sdelay $0x2  }
0xa4: {  	[tilespmem:s17], [sflag:$0x1] =	stream.indirect_vreg.gather [hbm4b:s1+s6], $0x80, v4, vm0, $0xb8;
	[tilespmem:$0x9280] =	vst v63  }
0xa5: {  	_ = 	snop  }
0xa6: {  	[tilespmem:s18], [sflag:$0x1] =	stream.indirect_vreg.gather [hbm4b:s1+s6], $0x80, v3, vm0, $0xb8;
	[tilespmem:$0x9280] =	vst v63  }
0xa7: {  	v3 =	vld [tilespmem:$0xB0];
	_ =	sdelay $0x4  }
0xa8: {  	v39 =	vshll.u32 v3, $0x1  }
0xa9: {  	v3 =	vand.u32 $0x7, v3;
	v4 =	vand.u32 $0xFFFFFFF0, v39  }
0xaa: {  	v3 =	vor.u32 v3, v4  }
0xab: {  	v4 =	vperm.xlane v3, v0;
	_ =	sdelay $0x1  }
0xac: {  	v3 =	vperm.xlane v3, v2;
	v4 =	vadd.s32 v1, v4;
	_ =	sdelay $0x1  }
0xad: {  	v3 =	vadd.s32 v1, v3;
	_ =	sdelay $0x2  }
0xae: {  	[tilespmem:s19], [sflag:$0x1] =	stream.indirect_vreg.gather [hbm4b:s1+s6], $0x80, v4, vm0, $0xb8;
	[tilespmem:$0x9280] =	vst v63  }
0xaf: {  	_ = 	snop  }
0xb0: {  	[tilespmem:s20], [sflag:$0x1] =	stream.indirect_vreg.gather [hbm4b:s1+s6], $0x80, v3, vm0, $0xb8;
	[tilespmem:$0x9280] =	vst v63  }
0xb1: {  	v3 =	vld [tilespmem:$0xC0];
	_ =	sdelay $0x4  }
0xb2: {  	v40 =	vshll.u32 v3, $0x1  }
0xb3: {  	v3 =	vand.u32 $0x7, v3;
	v4 =	vand.u32 $0xFFFFFFF0, v40  }
0xb4: {  	v3 =	vor.u32 v3, v4  }
0xb5: {  	v4 =	vperm.xlane v3, v0;
	_ =	sdelay $0x1  }
0xb6: {  	v3 =	vperm.xlane v3, v2;
	v4 =	vadd.s32 v1, v4;
	_ =	sdelay $0x1  }
0xb7: {  	v3 =	vadd.s32 v1, v3;
	_ =	sdelay $0x2  }
0xb8: {  	[tilespmem:s21], [sflag:$0x1] =	stream.indirect_vreg.gather [hbm4b:s1+s6], $0x80, v4, vm0, $0xb8;
	[tilespmem:$0x9280] =	vst v63  }
0xb9: {  	_ = 	snop  }
0xba: {  	[tilespmem:s22], [sflag:$0x1] =	stream.indirect_vreg.gather [hbm4b:s1+s6], $0x80, v3, vm0, $0xb8;
	[tilespmem:$0x9280] =	vst v63  }
0xbb: {  	v3 =	vld [tilespmem:$0xD0];
	_ =	sdelay $0x4  }
0xbc: {  	v41 =	vshll.u32 v3, $0x1  }
0xbd: {  	v3 =	vand.u32 $0x7, v3;
	v4 =	vand.u32 $0xFFFFFFF0, v41  }
0xbe: {  	v3 =	vor.u32 v3, v4  }
0xbf: {  	v4 =	vperm.xlane v3, v0;
	_ =	sdelay $0x1  }
0xc0: {  	v3 =	vperm.xlane v3, v2;
	v4 =	vadd.s32 v1, v4;
	_ =	sdelay $0x1  }
0xc1: {  	v3 =	vadd.s32 v1, v3;
	_ =	sdelay $0x2  }
0xc2: {  	[tilespmem:s23], [sflag:$0x1] =	stream.indirect_vreg.gather [hbm4b:s1+s6], $0x80, v4, vm0, $0xb8;
	[tilespmem:$0x9280] =	vst v63  }
0xc3: {  	_ = 	snop  }
0xc4: {  	[tilespmem:s24], [sflag:$0x1] =	stream.indirect_vreg.gather [hbm4b:s1+s6], $0x80, v3, vm0, $0xb8;
	[tilespmem:$0x9280] =	vst v63  }
0xc5: {  	v3 =	vld [tilespmem:$0xE0];
	_ =	sdelay $0x4  }
0xc6: {  	v42 =	vshll.u32 v3, $0x1  }
0xc7: {  	v3 =	vand.u32 $0x7, v3;
	v4 =	vand.u32 $0xFFFFFFF0, v42  }
0xc8: {  	v3 =	vor.u32 v3, v4  }
0xc9: {  	v4 =	vperm.xlane v3, v0;
	_ =	sdelay $0x1  }
0xca: {  	v3 =	vperm.xlane v3, v2;
	v4 =	vadd.s32 v1, v4;
	_ =	sdelay $0x1  }
0xcb: {  	v3 =	vadd.s32 v1, v3;
	_ =	sdelay $0x2  }
0xcc: {  	[tilespmem:s25], [sflag:$0x1] =	stream.indirect_vreg.gather [hbm4b:s1+s6], $0x80, v4, vm0, $0xb8;
	[tilespmem:$0x9280] =	vst v63  }
0xcd: {  	_ = 	snop  }
0xce: {  	[tilespmem:s26], [sflag:$0x1] =	stream.indirect_vreg.gather [hbm4b:s1+s6], $0x80, v3, vm0, $0xb8;
	[tilespmem:$0x9280] =	vst v63  }
0xcf: {  	v3 =	vld [tilespmem:$0xF0];
	_ =	sdelay $0x4  }
0xd0: {  	v43 =	vshll.u32 v3, $0x1  }
0xd1: {  	v3 =	vand.u32 $0x7, v3;
	v4 =	vand.u32 $0xFFFFFFF0, v43  }
0xd2: {  	v3 =	vor.u32 v3, v4  }
0xd3: {  	v4 =	vperm.xlane v3, v0;
	_ =	sdelay $0x1  }
0xd4: {  	v3 =	vperm.xlane v3, v2;
	v4 =	vadd.s32 v1, v4;
	_ =	sdelay $0x1  }
0xd5: {  	v3 =	vadd.s32 v1, v3;
	_ =	sdelay $0x2  }
0xd6: {  	[tilespmem:s28], [sflag:$0x1] =	stream.indirect_vreg.gather [hbm4b:s1+s6], $0x80, v4, vm0, $0xb8;
	[tilespmem:$0x9280] =	vst v63  }
0xd7: {  	_ = 	snop  }
0xd8: {  	[tilespmem:s29], [sflag:$0x1] =	stream.indirect_vreg.gather [hbm4b:s1+s6], $0x80, v3, vm0, $0xb8;
	[tilespmem:$0x9280] =	vst v63  }
0xd9: {  	v3 =	vld [tilespmem:$0x100];
	_ =	sdelay $0x4  }
0xda: {  	v44 =	vshll.u32 v3, $0x1  }
0xdb: {  	v3 =	vand.u32 $0x7, v3;
	v4 =	vand.u32 $0xFFFFFFF0, v44  }
0xdc: {  	v3 =	vor.u32 v3, v4  }
0xdd: {  	v4 =	vperm.xlane v3, v0;
	_ =	sdelay $0x1  }
0xde: {  	v3 =	vperm.xlane v3, v2;
	v4 =	vadd.s32 v1, v4;
	_ =	sdelay $0x1  }
0xdf: {  	v3 =	vadd.s32 v1, v3;
	_ =	sdelay $0x2  }
0xe0: {  	[tilespmem:s30], [sflag:$0x1] =	stream.indirect_vreg.gather [hbm4b:s1+s6], $0x80, v4, vm0, $0xb8;
	[tilespmem:$0x9280] =	vst v63  }
0xe1: {  	_ = 	snop  }
0xe2: {  	[tilespmem:s31], [sflag:$0x1] =	stream.indirect_vreg.gather [hbm4b:s1+s6], $0x80, v3, vm0, $0xb8;
	[tilespmem:$0x9280] =	vst v63  }
0xe3: {  	v3 =	vld [tilespmem:$0x110];
	_ =	sdelay $0x4  }
0xe4: {  	v45 =	vshll.u32 v3, $0x1  }
0xe5: {  	v3 =	vand.u32 $0x7, v3;
	v4 =	vand.u32 $0xFFFFFFF0, v45  }
0xe6: {  	v3 =	vor.u32 v3, v4  }
0xe7: {  	v4 =	vperm.xlane v3, v0;
	_ =	sdelay $0x1  }
0xe8: {  	v3 =	vperm.xlane v3, v2;
	v4 =	vadd.s32 v1, v4;
	_ =	sdelay $0x1  }
0xe9: {  	v3 =	vadd.s32 v1, v3;
	_ =	sdelay $0x2  }
0xea: {  	[tilespmem:s2], [sflag:$0x1] =	stream.indirect_vreg.gather [hbm4b:s1+s6], $0x80, v4, vm0, $0xb8;
	[tilespmem:$0x9280] =	vst v63  }
0xeb: {  	_ = 	snop  }
0xec: {  	[tilespmem:s0], [sflag:$0x1] =	stream.indirect_vreg.gather [hbm4b:s1+s6], $0x80, v3, vm0, $0xb8;
	[tilespmem:$0x9280] =	vst v63  }
0xed: {  	_ =	swait.ge [sflag:s9], $0x9000  }
0xee: {  	[sflag:s9] =	ssyncset.done $0x0  }
0xef: {  	s12 =	rddreg [dreg:$0xa];
	[sflag:s9] =	ssyncadd.s32 $0xFFFF7000  }
0xf0: {  	[hbm4b:s12+s6] =	stream.linear.scatter [tilespmem:s15], [sflag:$0x2], $0x9000, $0x38;
	[tilespmem:$0x9280] =	vst v63  }
0xf1: {  	_ =	swait.ge [sflag:s14], $0x9000  }
0xf2: {  	[sflag:s14] =	ssyncset.done $0x0  }
0xf3: {  	[sflag:s14] =	ssyncadd.s32 $0xFFFF7000  }
0xf4: {  	[hbm4b:s4+s10] =	stream.strided.scatter [tilespmem:s15], [sflag:$0x2], $0x9000, s11, s10, $0x38;
	[tilespmem:$0x9280] =	vst v63  }
0xf5: {  	_ =	swait.ge [sflag:s14], $0x9000  }
0xf6: {  	[sflag:s14] =	ssyncset.done $0x0  }
0xf7: {  	[sflag:s14] =	ssyncadd.s32 $0xFFFF7000  }
0xf8: {  	v3 =	vld [tilespmem:$0x120];
	_ =	sdelay $0x4  }
0xf9: {  	v46 =	vshll.u32 v3, $0x1  }
0xfa: {  	v3 =	vand.u32 $0x7, v3;
	v4 =	vand.u32 $0xFFFFFFF0, v46  }
0xfb: {  	v3 =	vor.u32 v3, v4  }
0xfc: {  	v4 =	vperm.xlane v3, v0;
	_ =	sdelay $0x1  }
0xfd: {  	v3 =	vperm.xlane v3, v2;
	v4 =	vadd.s32 v1, v4;
	_ =	sdelay $0x1  }
0xfe: {  	v3 =	vadd.s32 v1, v3;
	_ =	sdelay $0x2  }
0xff: {  	[tilespmem:s15], [sflag:$0x1] =	stream.indirect_vreg.gather [hbm4b:s1+s6], $0x80, v4, vm0, $0xb8;
	[tilespmem:$0x9280] =	vst v63  }
0x100: {  	_ = 	snop  }
0x101: {  	[tilespmem:s16], [sflag:$0x1] =	stream.indirect_vreg.gather [hbm4b:s1+s6], $0x80, v3, vm0, $0xb8;
	[tilespmem:$0x9280] =	vst v63  }
0x102: {  	v3 =	vld [tilespmem:$0x130];
	_ =	sdelay $0x4  }
0x103: {  	v47 =	vshll.u32 v3, $0x1  }
0x104: {  	v3 =	vand.u32 $0x7, v3;
	v4 =	vand.u32 $0xFFFFFFF0, v47  }
0x105: {  	v3 =	vor.u32 v3, v4  }
0x106: {  	v4 =	vperm.xlane v3, v0;
	_ =	sdelay $0x1  }
0x107: {  	v3 =	vperm.xlane v3, v2;
	v4 =	vadd.s32 v1, v4;
	_ =	sdelay $0x1  }
0x108: {  	v3 =	vadd.s32 v1, v3;
	_ =	sdelay $0x2  }
0x109: {  	[tilespmem:s17], [sflag:$0x1] =	stream.indirect_vreg.gather [hbm4b:s1+s6], $0x80, v4, vm0, $0xb8;
	[tilespmem:$0x9280] =	vst v63  }
0x10a: {  	_ = 	snop  }
0x10b: {  	[tilespmem:s18], [sflag:$0x1] =	stream.indirect_vreg.gather [hbm4b:s1+s6], $0x80, v3, vm0, $0xb8;
	[tilespmem:$0x9280] =	vst v63  }
0x10c: {  	v3 =	vld [tilespmem:$0x140];
	_ =	sdelay $0x4  }
0x10d: {  	v48 =	vshll.u32 v3, $0x1  }
0x10e: {  	v3 =	vand.u32 $0x7, v3;
	v4 =	vand.u32 $0xFFFFFFF0, v48  }
0x10f: {  	v3 =	vor.u32 v3, v4  }
0x110: {  	v4 =	vperm.xlane v3, v0;
	_ =	sdelay $0x1  }
0x111: {  	v3 =	vperm.xlane v3, v2;
	v4 =	vadd.s32 v1, v4;
	_ =	sdelay $0x1  }
0x112: {  	v3 =	vadd.s32 v1, v3;
	_ =	sdelay $0x2  }
0x113: {  	[tilespmem:s19], [sflag:$0x1] =	stream.indirect_vreg.gather [hbm4b:s1+s6], $0x80, v4, vm0, $0xb8;
	[tilespmem:$0x9280] =	vst v63  }
0x114: {  	_ = 	snop  }
0x115: {  	[tilespmem:s20], [sflag:$0x1] =	stream.indirect_vreg.gather [hbm4b:s1+s6], $0x80, v3, vm0, $0xb8;
	[tilespmem:$0x9280] =	vst v63  }
0x116: {  	v3 =	vld [tilespmem:$0x150];
	_ =	sdelay $0x4  }
0x117: {  	v49 =	vshll.u32 v3, $0x1  }
0x118: {  	v3 =	vand.u32 $0x7, v3;
	v4 =	vand.u32 $0xFFFFFFF0, v49  }
0x119: {  	v3 =	vor.u32 v3, v4  }
0x11a: {  	v4 =	vperm.xlane v3, v0;
	_ =	sdelay $0x1  }
0x11b: {  	v3 =	vperm.xlane v3, v2;
	v4 =	vadd.s32 v1, v4;
	_ =	sdelay $0x1  }
0x11c: {  	v3 =	vadd.s32 v1, v3;
	_ =	sdelay $0x2  }
0x11d: {  	[tilespmem:s21], [sflag:$0x1] =	stream.indirect_vreg.gather [hbm4b:s1+s6], $0x80, v4, vm0, $0xb8;
	[tilespmem:$0x9280] =	vst v63  }
0x11e: {  	_ = 	snop  }
0x11f: {  	[tilespmem:s22], [sflag:$0x1] =	stream.indirect_vreg.gather [hbm4b:s1+s6], $0x80, v3, vm0, $0xb8;
	[tilespmem:$0x9280] =	vst v63  }
0x120: {  	v3 =	vld [tilespmem:$0x160];
	_ =	sdelay $0x4  }
0x121: {  	v50 =	vshll.u32 v3, $0x1  }
0x122: {  	v3 =	vand.u32 $0x7, v3;
	v4 =	vand.u32 $0xFFFFFFF0, v50  }
0x123: {  	v3 =	vor.u32 v3, v4  }
0x124: {  	v4 =	vperm.xlane v3, v0;
	_ =	sdelay $0x1  }
0x125: {  	v3 =	vperm.xlane v3, v2;
	v4 =	vadd.s32 v1, v4;
	_ =	sdelay $0x1  }
0x126: {  	v3 =	vadd.s32 v1, v3;
	_ =	sdelay $0x2  }
0x127: {  	[tilespmem:s23], [sflag:$0x1] =	stream.indirect_vreg.gather [hbm4b:s1+s6], $0x80, v4, vm0, $0xb8;
	[tilespmem:$0x9280] =	vst v63  }
0x128: {  	_ = 	snop  }
0x129: {  	[tilespmem:s24], [sflag:$0x1] =	stream.indirect_vreg.gather [hbm4b:s1+s6], $0x80, v3, vm0, $0xb8;
	[tilespmem:$0x9280] =	vst v63  }
0x12a: {  	v3 =	vld [tilespmem:$0x170];
	_ =	sdelay $0x4  }
0x12b: {  	v51 =	vshll.u32 v3, $0x1  }
0x12c: {  	v3 =	vand.u32 $0x7, v3;
	v4 =	vand.u32 $0xFFFFFFF0, v51  }
0x12d: {  	v3 =	vor.u32 v3, v4  }
0x12e: {  	v4 =	vperm.xlane v3, v0;
	_ =	sdelay $0x1  }
0x12f: {  	v3 =	vperm.xlane v3, v2;
	v4 =	vadd.s32 v1, v4;
	_ =	sdelay $0x1  }
0x130: {  	v3 =	vadd.s32 v1, v3;
	_ =	sdelay $0x2  }
0x131: {  	[tilespmem:s25], [sflag:$0x1] =	stream.indirect_vreg.gather [hbm4b:s1+s6], $0x80, v4, vm0, $0xb8;
	[tilespmem:$0x9280] =	vst v63  }
0x132: {  	_ = 	snop  }
0x133: {  	[tilespmem:s26], [sflag:$0x1] =	stream.indirect_vreg.gather [hbm4b:s1+s6], $0x80, v3, vm0, $0xb8;
	[tilespmem:$0x9280] =	vst v63  }
0x134: {  	v3 =	vld [tilespmem:$0x180];
	_ =	sdelay $0x4  }
0x135: {  	v52 =	vshll.u32 v3, $0x1  }
0x136: {  	v3 =	vand.u32 $0x7, v3;
	v4 =	vand.u32 $0xFFFFFFF0, v52  }
0x137: {  	v3 =	vor.u32 v3, v4  }
0x138: {  	v4 =	vperm.xlane v3, v0;
	_ =	sdelay $0x1  }
0x139: {  	v3 =	vperm.xlane v3, v2;
	v4 =	vadd.s32 v1, v4;
	_ =	sdelay $0x1  }
0x13a: {  	v3 =	vadd.s32 v1, v3;
	_ =	sdelay $0x2  }
0x13b: {  	[tilespmem:s28], [sflag:$0x1] =	stream.indirect_vreg.gather [hbm4b:s1+s6], $0x80, v4, vm0, $0xb8;
	[tilespmem:$0x9280] =	vst v63  }
0x13c: {  	_ = 	snop  }
0x13d: {  	[tilespmem:s29], [sflag:$0x1] =	stream.indirect_vreg.gather [hbm4b:s1+s6], $0x80, v3, vm0, $0xb8;
	[tilespmem:$0x9280] =	vst v63  }
0x13e: {  	v3 =	vld [tilespmem:$0x190];
	_ =	sdelay $0x4  }
0x13f: {  	v53 =	vshll.u32 v3, $0x1  }
0x140: {  	v3 =	vand.u32 $0x7, v3;
	v4 =	vand.u32 $0xFFFFFFF0, v53  }
0x141: {  	v3 =	vor.u32 v3, v4  }
0x142: {  	v4 =	vperm.xlane v3, v0;
	_ =	sdelay $0x1  }
0x143: {  	v3 =	vperm.xlane v3, v2;
	v4 =	vadd.s32 v1, v4;
	_ =	sdelay $0x1  }
0x144: {  	v3 =	vadd.s32 v1, v3;
	_ =	sdelay $0x2  }
0x145: {  	[tilespmem:s30], [sflag:$0x1] =	stream.indirect_vreg.gather [hbm4b:s1+s6], $0x80, v4, vm0, $0xb8;
	[tilespmem:$0x9280] =	vst v63  }
0x146: {  	_ = 	snop  }
0x147: {  	[tilespmem:s31], [sflag:$0x1] =	stream.indirect_vreg.gather [hbm4b:s1+s6], $0x80, v3, vm0, $0xb8;
	[tilespmem:$0x9280] =	vst v63  }
0x148: {  	v3 =	vld [tilespmem:$0x1A0];
	_ =	sdelay $0x4  }
0x149: {  	v54 =	vshll.u32 v3, $0x1  }
0x14a: {  	v3 =	vand.u32 $0x7, v3;
	v4 =	vand.u32 $0xFFFFFFF0, v54  }
0x14b: {  	v3 =	vor.u32 v3, v4  }
0x14c: {  	v4 =	vperm.xlane v3, v0;
	_ =	sdelay $0x1  }
0x14d: {  	v3 =	vperm.xlane v3, v2;
	v4 =	vadd.s32 v1, v4;
	_ =	sdelay $0x1  }
0x14e: {  	v3 =	vadd.s32 v1, v3;
	_ =	sdelay $0x2  }
0x14f: {  	[tilespmem:s2], [sflag:$0x1] =	stream.indirect_vreg.gather [hbm4b:s1+s6], $0x80, v4, vm0, $0xb8;
	[tilespmem:$0x9280] =	vst v63  }
0x150: {  	_ = 	snop  }
0x151: {  	[tilespmem:s0], [sflag:$0x1] =	stream.indirect_vreg.gather [hbm4b:s1+s6], $0x80, v3, vm0, $0xb8;
	[tilespmem:$0x9280] =	vst v63  }
0x152: {  	_ =	swait.ge [sflag:s9], $0x9000  }
0x153: {  	[sflag:s9] =	ssyncset.done $0x0  }
0x154: {  	s12 =	rddreg [dreg:$0x9];
	[sflag:s9] =	ssyncadd.s32 $0xFFFF7000  }
0x155: {  	[hbm4b:s12+s6] =	stream.linear.scatter [tilespmem:s15], [sflag:$0x2], $0x9000, $0x38;
	[tilespmem:$0x9280] =	vst v63  }
0x156: {  	_ =	swait.ge [sflag:s14], $0x9000  }
0x157: {  	[sflag:s14] =	ssyncset.done $0x0  }
0x158: {  	[sflag:s14] =	ssyncadd.s32 $0xFFFF7000  }
0x159: {  	[hbm4b:s5+s10] =	stream.strided.scatter [tilespmem:s15], [sflag:$0x2], $0x9000, s11, s10, $0x38;
	[tilespmem:$0x9280] =	vst v63  }
0x15a: {  	_ =	swait.ge [sflag:s14], $0x9000  }
0x15b: {  	[sflag:s14] =	ssyncset.done $0x0  }
0x15c: {  	[sflag:s14] =	ssyncadd.s32 $0xFFFF7000  }
0x15d: {  	v3 =	vld [tilespmem:$0x1B0];
	_ =	sdelay $0x4  }
0x15e: {  	v55 =	vshll.u32 v3, $0x1  }
0x15f: {  	v3 =	vand.u32 $0x7, v3;
	v4 =	vand.u32 $0xFFFFFFF0, v55  }
0x160: {  	v3 =	vor.u32 v3, v4  }
0x161: {  	v4 =	vperm.xlane v3, v0;
	_ =	sdelay $0x1  }
0x162: {  	v3 =	vperm.xlane v3, v2;
	v4 =	vadd.s32 v1, v4;
	_ =	sdelay $0x1  }
0x163: {  	v3 =	vadd.s32 v1, v3;
	_ =	sdelay $0x2  }
0x164: {  	[tilespmem:s15], [sflag:$0x1] =	stream.indirect_vreg.gather [hbm4b:s1+s6], $0x80, v4, vm0, $0xb8;
	[tilespmem:$0x9280] =	vst v63  }
0x165: {  	_ = 	snop  }
0x166: {  	[tilespmem:s16], [sflag:$0x1] =	stream.indirect_vreg.gather [hbm4b:s1+s6], $0x80, v3, vm0, $0xb8;
	[tilespmem:$0x9280] =	vst v63  }
0x167: {  	v3 =	vld [tilespmem:$0x1C0];
	_ =	sdelay $0x4  }
0x168: {  	v56 =	vshll.u32 v3, $0x1  }
0x169: {  	v3 =	vand.u32 $0x7, v3;
	v4 =	vand.u32 $0xFFFFFFF0, v56  }
0x16a: {  	v3 =	vor.u32 v3, v4  }
0x16b: {  	v4 =	vperm.xlane v3, v0;
	_ =	sdelay $0x1  }
0x16c: {  	v3 =	vperm.xlane v3, v2;
	v4 =	vadd.s32 v1, v4;
	_ =	sdelay $0x1  }
0x16d: {  	v3 =	vadd.s32 v1, v3;
	_ =	sdelay $0x2  }
0x16e: {  	[tilespmem:s17], [sflag:$0x1] =	stream.indirect_vreg.gather [hbm4b:s1+s6], $0x80, v4, vm0, $0xb8;
	[tilespmem:$0x9280] =	vst v63  }
0x16f: {  	_ = 	snop  }
0x170: {  	[tilespmem:s18], [sflag:$0x1] =	stream.indirect_vreg.gather [hbm4b:s1+s6], $0x80, v3, vm0, $0xb8;
	[tilespmem:$0x9280] =	vst v63  }
0x171: {  	v3 =	vld [tilespmem:$0x1D0];
	_ =	sdelay $0x4  }
0x172: {  	v57 =	vshll.u32 v3, $0x1  }
0x173: {  	v3 =	vand.u32 $0x7, v3;
	v4 =	vand.u32 $0xFFFFFFF0, v57  }
0x174: {  	v3 =	vor.u32 v3, v4  }
0x175: {  	v4 =	vperm.xlane v3, v0;
	_ =	sdelay $0x1  }
0x176: {  	v3 =	vperm.xlane v3, v2;
	v4 =	vadd.s32 v1, v4;
	_ =	sdelay $0x1  }
0x177: {  	v3 =	vadd.s32 v1, v3;
	_ =	sdelay $0x2  }
0x178: {  	[tilespmem:s19], [sflag:$0x1] =	stream.indirect_vreg.gather [hbm4b:s1+s6], $0x80, v4, vm0, $0xb8;
	[tilespmem:$0x9280] =	vst v63  }
0x179: {  	_ = 	snop  }
0x17a: {  	[tilespmem:s20], [sflag:$0x1] =	stream.indirect_vreg.gather [hbm4b:s1+s6], $0x80, v3, vm0, $0xb8;
	[tilespmem:$0x9280] =	vst v63  }
0x17b: {  	v3 =	vld [tilespmem:$0x1E0];
	_ =	sdelay $0x4  }
0x17c: {  	v58 =	vshll.u32 v3, $0x1  }
0x17d: {  	v3 =	vand.u32 $0x7, v3;
	v4 =	vand.u32 $0xFFFFFFF0, v58  }
0x17e: {  	v3 =	vor.u32 v3, v4  }
0x17f: {  	v4 =	vperm.xlane v3, v0;
	_ =	sdelay $0x1  }
0x180: {  	v3 =	vperm.xlane v3, v2;
	v4 =	vadd.s32 v1, v4;
	_ =	sdelay $0x1  }
0x181: {  	v3 =	vadd.s32 v1, v3;
	_ =	sdelay $0x2  }
0x182: {  	[tilespmem:s21], [sflag:$0x1] =	stream.indirect_vreg.gather [hbm4b:s1+s6], $0x80, v4, vm0, $0xb8;
	[tilespmem:$0x9280] =	vst v63  }
0x183: {  	_ = 	snop  }
0x184: {  	[tilespmem:s22], [sflag:$0x1] =	stream.indirect_vreg.gather [hbm4b:s1+s6], $0x80, v3, vm0, $0xb8;
	[tilespmem:$0x9280] =	vst v63  }
0x185: {  	v3 =	vld [tilespmem:$0x1F0];
	_ =	sdelay $0x4  }
0x186: {  	v59 =	vshll.u32 v3, $0x1  }
0x187: {  	v3 =	vand.u32 $0x7, v3;
	v4 =	vand.u32 $0xFFFFFFF0, v59  }
0x188: {  	v3 =	vor.u32 v3, v4  }
0x189: {  	v4 =	vperm.xlane v3, v0;
	_ =	sdelay $0x1  }
0x18a: {  	v3 =	vperm.xlane v3, v2;
	v4 =	vadd.s32 v1, v4;
	_ =	sdelay $0x1  }
0x18b: {  	v3 =	vadd.s32 v1, v3;
	_ =	sdelay $0x2  }
0x18c: {  	[tilespmem:s23], [sflag:$0x1] =	stream.indirect_vreg.gather [hbm4b:s1+s6], $0x80, v4, vm0, $0xb8;
	[tilespmem:$0x9280] =	vst v63  }
0x18d: {  	_ = 	snop  }
0x18e: {  	[tilespmem:s24], [sflag:$0x1] =	stream.indirect_vreg.gather [hbm4b:s1+s6], $0x80, v3, vm0, $0xb8;
	[tilespmem:$0x9280] =	vst v63  }
0x18f: {  	v3 =	vld [tilespmem:$0x200];
	_ =	sdelay $0x4  }
0x190: {  	v60 =	vshll.u32 v3, $0x1  }
0x191: {  	v3 =	vand.u32 $0x7, v3;
	v4 =	vand.u32 $0xFFFFFFF0, v60  }
0x192: {  	v3 =	vor.u32 v3, v4  }
0x193: {  	v4 =	vperm.xlane v3, v0;
	_ =	sdelay $0x1  }
0x194: {  	v3 =	vperm.xlane v3, v2;
	v4 =	vadd.s32 v1, v4;
	_ =	sdelay $0x1  }
0x195: {  	v3 =	vadd.s32 v1, v3;
	_ =	sdelay $0x2  }
0x196: {  	[tilespmem:s25], [sflag:$0x1] =	stream.indirect_vreg.gather [hbm4b:s1+s6], $0x80, v4, vm0, $0xb8;
	[tilespmem:$0x9280] =	vst v63  }
0x197: {  	_ = 	snop  }
0x198: {  	[tilespmem:s26], [sflag:$0x1] =	stream.indirect_vreg.gather [hbm4b:s1+s6], $0x80, v3, vm0, $0xb8;
	[tilespmem:$0x9280] =	vst v63  }
0x199: {  	v3 =	vld [tilespmem:$0x210];
	_ =	sdelay $0x4  }
0x19a: {  	v61 =	vshll.u32 v3, $0x1  }
0x19b: {  	v3 =	vand.u32 $0x7, v3;
	v4 =	vand.u32 $0xFFFFFFF0, v61  }
0x19c: {  	v3 =	vor.u32 v3, v4  }
0x19d: {  	v4 =	vperm.xlane v3, v0;
	_ =	sdelay $0x1  }
0x19e: {  	v3 =	vperm.xlane v3, v2;
	v4 =	vadd.s32 v1, v4;
	_ =	sdelay $0x1  }
0x19f: {  	v3 =	vadd.s32 v1, v3;
	_ =	sdelay $0x2  }
0x1a0: {  	[tilespmem:s28], [sflag:$0x1] =	stream.indirect_vreg.gather [hbm4b:s1+s6], $0x80, v4, vm0, $0xb8;
	[tilespmem:$0x9280] =	vst v63  }
0x1a1: {  	_ = 	snop  }
0x1a2: {  	[tilespmem:s29], [sflag:$0x1] =	stream.indirect_vreg.gather [hbm4b:s1+s6], $0x80, v3, vm0, $0xb8;
	[tilespmem:$0x9280] =	vst v63  }
0x1a3: {  	v3 =	vld [tilespmem:$0x220];
	_ =	sdelay $0x4  }
0x1a4: {  	v62 =	vshll.u32 v3, $0x1  }
0x1a5: {  	v3 =	vand.u32 $0x7, v3;
	v4 =	vand.u32 $0xFFFFFFF0, v62  }
0x1a6: {  	v3 =	vor.u32 v3, v4  }
0x1a7: {  	v4 =	vperm.xlane v3, v0;
	_ =	sdelay $0x1  }
0x1a8: {  	v3 =	vperm.xlane v3, v2;
	v4 =	vadd.s32 v1, v4;
	_ =	sdelay $0x1  }
0x1a9: {  	v3 =	vadd.s32 v1, v3;
	_ =	sdelay $0x2  }
0x1aa: {  	[tilespmem:s30], [sflag:$0x1] =	stream.indirect_vreg.gather [hbm4b:s1+s6], $0x80, v4, vm0, $0xb8;
	[tilespmem:$0x9280] =	vst v63  }
0x1ab: {  	_ = 	snop  }
0x1ac: {  	[tilespmem:s31], [sflag:$0x1] =	stream.indirect_vreg.gather [hbm4b:s1+s6], $0x80, v3, vm0, $0xb8;
	[tilespmem:$0x9280] =	vst v63  }
0x1ad: {  	v3 =	vld [tilespmem:$0x230];
	_ =	sdelay $0x4  }
0x1ae: {  	v63 =	vshll.u32 v3, $0x1  }
0x1af: {  	v3 =	vand.u32 $0x7, v3;
	v4 =	vand.u32 $0xFFFFFFF0, v63  }
0x1b0: {  	v3 =	vor.u32 v3, v4  }
0x1b1: {  	v4 =	vperm.xlane v3, v0;
	_ =	sdelay $0x1  }
0x1b2: {  	v3 =	vperm.xlane v3, v2;
	v4 =	vadd.s32 v1, v4;
	_ =	sdelay $0x1  }
0x1b3: {  	v3 =	vadd.s32 v1, v3;
	_ =	sdelay $0x2  }
0x1b4: {  	[tilespmem:s2], [sflag:$0x1] =	stream.indirect_vreg.gather [hbm4b:s1+s6], $0x80, v4, vm0, $0xb8;
	[tilespmem:$0x9280] =	vst v63  }
0x1b5: {  	_ = 	snop  }
0x1b6: {  	[tilespmem:s0], [sflag:$0x1] =	stream.indirect_vreg.gather [hbm4b:s1+s6], $0x80, v3, vm0, $0xb8;
	[tilespmem:$0x9280] =	vst v63  }
0x1b7: {  	_ =	swait.ge [sflag:s9], $0x9000  }
0x1b8: {  	[sflag:s9] =	ssyncset.done $0x0  }
0x1b9: {  	s12 =	rddreg [dreg:$0x8];
	[sflag:s9] =	ssyncadd.s32 $0xFFFF7000  }
0x1ba: {  	[hbm4b:s12+s6] =	stream.linear.scatter [tilespmem:s15], [sflag:$0x2], $0x9000, $0x38;
	[tilespmem:$0x9280] =	vst v63  }
0x1bb: {  	s8 =	sadd.s32 $0xFFFFFFFF, s8;
	_ =	swait.ge [sflag:s14], $0x9000  }
0x1bc: {  	p0 =	sne.s32 s8, $0x0;
	[sflag:s14] =	ssyncset.done $0x0  }
.Ltmp0:
0x1bd: {  	[sflag:s14] =	ssyncadd.s32 $0xFFFF7000;
	(pc) =	sbr.rel @p0 .LBB2_1-.Ltmp0, $4  }
0x1be: {  	[hbm4b:s7+s10] =	stream.strided.scatter [tilespmem:s15], [sflag:$0x2], $0x9000, s11, s10, $0x38;
	[tilespmem:$0x9280] =	vst v63  }
0x1bf: {  	_ =	swait.ge [sflag:s14], $0x9000  }
0x1c0: {  	[sflag:s14] =	ssyncset.done $0x0  }
0x1c1: {  	[sflag:s14] =	ssyncadd.s32 $0xFFFF7000  }
0x1c2: {  	_ =	sfence.sel $0x180000  }
0x1c3: {  	[bflag:$0x0] =	sbarrier.arrive $0xFFFF  }
0x1c4: {  	_ =	strace $0x90000047  }
0x1c5: {  	s0 =	stileid.u32;
	[bflag:$0x2] =	sbarrier.arrive $0xFFFF  }
0x1c6: {  	p0 =	sne.s32 s0, $0x0;
	s0 =	rddreg [dreg:$0x7]  }
0x1c7: {  	s0 =	sadd.s32 @!p0 $0x100000, s0  }
0x1c8: {  	[sflag:s0] =	ssyncadd.tile.s32 @!p0 $0x1;
	_ =	shalt  }
.Lfunc_end2:
_tile_overlayer_lowered:
.L_overlay_start_2:
0x1c9: {  	(tag) =	ssettag $0x2  }
0x1ca: {  	s0 =	rddreg [dreg:$0x0];
	s2 =	stileid.u32  }
0x1cb: {  	s1 =	rddreg [dreg:$0x1];
	p0 =	sne.s32 s2, $0x0  }
0x1cc: {  	s3 =	rddreg [dreg:$0x2];
	[bflag:$0x3] =	sbarrier.arrive $0xFFFF;
	s2 =	simm.s32 @!p0 $0x1C02  }
0x1cd: {  	[timem:s3], [sflag:s2] =	dma.local @!p0 [hbm:s0], s1  }
0x1ce: {  	s0 =	simm.s32 @!p0 $0x2  }
0x1cf: {  	_ =	swait.ge @!p0 [sflag:s0], s1  }
0x1d0: {  	s1 =	ssub.s32 @!p0 $0x0, s1;
	[sflag:s0] =	ssyncset.done @!p0 $0x0  }
0x1d1: {  	[sflag:s0] =	ssyncadd.s32 @!p0 s1  }
0x1d2: {  	[bflag:$0x3] =	sbarrier.arrive $0xFFFF  }
0x1d3: {  	_ =	shalt  }

</sc_bundles>
